<compile_context>
chip_gen: v7x
topology: tpu7x:2x2x1
jax: 0.10.2.dev20260603
libtpu: 0.0.44.dev20260713+nightly
codegen_flags: <defaults>
</compile_context>

<pallas_src>
import functools

import jax
import jax.numpy as jnp
from jax import lax
from jax.experimental import pallas as pl
from jax.experimental.pallas import tpu as pltpu
from jax.experimental.pallas import tpu_sc as plsc

_B = 16384
_L = 50
_NCAT = 4
_UVOC = 1000000
_CVOC = 100000
_CATVOC = 10000

_NC = 2
_NS = 16
_NW = _NC * _NS
_S = _B // _NW
_CT_LEN = _NCAT * _CATVOC

_UBLK = 16384
_UGRID = -(-_UVOC // _UBLK)


def _project_u(wu, utabT):

    def body(w_ref, x_ref, o_ref):
        o_ref[...] = jnp.dot(w_ref[...], x_ref[...],
                             preferred_element_type=jnp.float32)[None]

    return pl.pallas_call(
        body,
        grid=(_UGRID,),
        in_specs=[
            pl.BlockSpec((1, 32), lambda k: (0, 0)),
            pl.BlockSpec((32, _UBLK), lambda k: (0, k)),
        ],
        out_specs=pl.BlockSpec((1, 1, _UBLK), lambda k: (k, 0, 0)),
        out_shape=jax.ShapeDtypeStruct((_UGRID, 1, _UBLK), jnp.float32),
    )(wu, utabT)


def _project_small(ctT, k0T, k1T, k2T, k3T, wc, w0, w1, w2, w3):

    def body(ct_ref, a0, a1, a2, a3, wc_ref, b0, b1, b2, b3,
             cs_out, o0, o1, o2, o3):
        cs_out[...] = jnp.dot(wc_ref[...], ct_ref[...],
                              preferred_element_type=jnp.float32)
        for a, bb, o in ((a0, b0, o0), (a1, b1, o1), (a2, b2, o2),
                         (a3, b3, o3)):
            o[...] = jnp.dot(bb[...], a[...],
                             preferred_element_type=jnp.float32)

    return pl.pallas_call(
        body,
        out_shape=[jax.ShapeDtypeStruct((1, _CVOC), jnp.float32)]
        + [jax.ShapeDtypeStruct((1, _CATVOC), jnp.float32)] * 4,
    )(ctT, k0T, k1T, k2T, k3T, wc, w0, w1, w2, w3)


_RW = _L * _NCAT
_PT_LEN = _CT_LEN + _CVOC


def _sc_pooled_predict(cats, cs, catlin2, clin2, uidx, us2, params):
    mesh = plsc.VectorSubcoreMesh(core_axis_name="c", subcore_axis_name="s")

    @functools.partial(
        pl.kernel,
        out_type=jax.ShapeDtypeStruct((_B,), jnp.float32),
        mesh=mesh,
        scratch_types=[
            pltpu.VMEM((_CVOC,), jnp.float32),
            pltpu.VMEM((_L, 512), jnp.int32),
            pltpu.VMEM((_S,), jnp.float32),
            pltpu.VMEM((4, 128), jnp.int32),
            pltpu.VMEM((_S,), jnp.float32),
            pltpu.VMEM((16,), jnp.float32),
            pltpu.SemaphoreType.DMA,
        ],
        compiler_params=pltpu.CompilerParams(
            needs_layout_passes=False, use_tc_tiling_on_sc=False),
    )
    def k(o0_hbm, o1_hbm, o2_hbm, o3_hbm, cs_hbm, cat_hbm, c_hbm, uidx_hbm,
          us_hbm, par_hbm,
          out_hbm, tab_v, slab_v, acc_v, uidx_v, usv, par_v, sem):
        wid = lax.axis_index("s") * _NC + lax.axis_index("c")
        base = wid * _S

        for j in range(4):
            pltpu.sync_copy(uidx_hbm.at[pl.ds(base + j * 128, 128)],
                            uidx_v.at[j])
        cps = [
            pltpu.async_copy(us_hbm.at[uidx_v.at[j]],
                             usv.at[pl.ds(j * 128, 128)], sem)
            for j in range(4)
        ]
        pltpu.sync_copy(par_hbm, par_v)
        for i, o_hbm in enumerate((o0_hbm, o1_hbm, o2_hbm, o3_hbm)):
            pltpu.sync_copy(o_hbm,
                            tab_v.at[pl.ds(i * _CATVOC, _CATVOC)])

        def kblock(kb, carry):
            pltpu.sync_copy(cat_hbm.at[4 * wid + kb], slab_v)

            def rgroup(r8, carry2):
                r0 = r8 * 16

                def lstep(l, acc):
                    a = acc
                    for i in range(4):
                        idx = slab_v[l, pl.ds(i * 128 + r0, 16)]
                        a = a + plsc.load_gather(tab_v, [idx + i * _CATVOC])
                    return a

                accv = lax.fori_loop(0, _L, lstep,
                                     jnp.zeros((16,), jnp.float32))
                acc_v[pl.ds(kb * 128 + r0, 16)] = accv
                return carry2

            lax.fori_loop(0, 8, rgroup, 0)
            return carry

        lax.fori_loop(0, 4, kblock, 0)

        for cp in cps:
            cp.wait()

        def ugroup(g, carry):
            uvals = usv[pl.ds(g * 16, 16)]
            acc_v[pl.ds(g * 16, 16)] = acc_v[pl.ds(g * 16, 16)] + uvals
            return carry

        lax.fori_loop(0, _S // 16, ugroup, 0)

        pltpu.sync_copy(cs_hbm, tab_v)
        pltpu.sync_copy(c_hbm.at[wid], slab_v)
        bias_vec = par_v[...]

        def cgroup(g, carry):
            c0 = g * 16

            def lstep(l, acc):
                idx = slab_v[l, pl.ds(c0, 16)]
                return acc + plsc.load_gather(tab_v, [idx])

            accv = lax.fori_loop(0, _L, lstep, acc_v[pl.ds(c0, 16)])
            z = accv + bias_vec
            acc_v[pl.ds(c0, 16)] = 1.0 / (1.0 + jnp.exp(-z))
            return carry

        lax.fori_loop(0, _S // 16, cgroup, 0)

        pltpu.sync_copy(acc_v, out_hbm.at[pl.ds(base, _S)])

    return k(*cats, cs, catlin2, clin2, uidx, us2, params)


def kernel(U, C, cat, U_table, C_table, cat_table0, cat_table1, cat_table2,
           cat_table3, W, b):
    f32 = jnp.float32
    U = U.astype(jnp.int32)
    C = C.astype(jnp.int32)
    cat = cat.astype(jnp.int32)

    wT = jnp.transpose(W)
    wc = wT[:, 0:32]
    wis = [wT[:, 32 + 16 * i:48 + 16 * i] for i in range(_NCAT)]
    wu = wT[:, 96:128]

    utabT = jnp.transpose(U_table)
    ctT = jnp.transpose(C_table)
    katT = [jnp.transpose(t)
            for t in (cat_table0, cat_table1, cat_table2, cat_table3)]

    us = _project_u(wu, utabT).reshape(-1)
    cs, o0, o1, o2, o3 = _project_small(ctT, *katT, wc, *wis)
    cats = [o.reshape(-1) for o in (o0, o1, o2, o3)]
    params = jnp.broadcast_to(b.astype(f32), (16,))

    catlin2 = cat.reshape(128, 128, _L, _NCAT).transpose(0, 2, 3, 1) \
                 .reshape(128, _L, _NCAT * 128)
    clin2 = C.reshape(_NW, _S, _L).transpose(0, 2, 1)

    out = _sc_pooled_predict(cats, cs.reshape(-1), catlin2, clin2, U, us,
                             params)
    return out.reshape(_B, 1)

# --- scband reference (transcript-rebuilt; emitter-appended) ---
"""Pipeline reference for scband-convertion-predictor-62165356642447 (READ-ONLY COPY).

The authoritative reference and input builder live on the scoring server;
editing this copy changes nothing except your own understanding.
"""

import jax, jax.numpy as jnp
import numpy as np

B = 16384
L = 50
NCAT = 4
U_VOCAB = 1000000
C_VOCAB = 100000
CAT_VOCAB = 10000
U_DIM = 32
C_DIM = 32
CAT_DIM = 16
IN_DIM = C_DIM + NCAT * CAT_DIM + U_DIM


def setup_inputs(seed: int = 0) -> dict:
    key = jax.random.key(seed)
    ks = jax.random.split(key, 12)
    U = jax.random.randint(ks[0], (B,), 0, U_VOCAB, dtype=jnp.int64 if jax.config.jax_enable_x64 else jnp.int32)
    C = jax.random.randint(ks[1], (B, L), 0, C_VOCAB, dtype=jnp.int64 if jax.config.jax_enable_x64 else jnp.int32)
    cat = jax.random.randint(ks[2], (B, L, NCAT), 0, CAT_VOCAB, dtype=jnp.int64 if jax.config.jax_enable_x64 else jnp.int32)
    U_table = jax.random.normal(ks[3], (U_VOCAB, U_DIM), dtype=jnp.float32) * 0.02
    C_table = jax.random.normal(ks[4], (C_VOCAB, C_DIM), dtype=jnp.float32) * 0.02
    cat_table0 = jax.random.normal(ks[5], (CAT_VOCAB, CAT_DIM), dtype=jnp.float32) * 0.02
    cat_table1 = jax.random.normal(ks[6], (CAT_VOCAB, CAT_DIM), dtype=jnp.float32) * 0.02
    cat_table2 = jax.random.normal(ks[7], (CAT_VOCAB, CAT_DIM), dtype=jnp.float32) * 0.02
    cat_table3 = jax.random.normal(ks[8], (CAT_VOCAB, CAT_DIM), dtype=jnp.float32) * 0.02
    W = jax.random.normal(ks[9], (IN_DIM, 1), dtype=jnp.float32) * (1.0 / np.sqrt(IN_DIM))
    b = jnp.zeros((1,), dtype=jnp.float32)
    return {"U": U, "C": C, "cat": cat, "U_table": U_table, "C_table": C_table,
            "cat_table0": cat_table0, "cat_table1": cat_table1, "cat_table2": cat_table2,
            "cat_table3": cat_table3, "W": W, "b": b}


def reference(U, C, cat, U_table, C_table, cat_table0, cat_table1, cat_table2, cat_table3, W, b):
    # Data_Emb: user embedding, item (C) embedding over history, categorical embeddings over history
    u = jnp.take(U_table, U, axis=0)                 # [B, U_DIM]
    c_emb = jnp.take(C_table, C, axis=0)             # [B, L, C_DIM]
    cat_tables = [cat_table0, cat_table1, cat_table2, cat_table3]
    cat_embs = [jnp.take(cat_tables[i], cat[:, :, i], axis=0) for i in range(NCAT)]  # each [B, L, CAT_DIM]
    tp = jnp.concatenate([c_emb] + cat_embs, axis=-1)  # [B, L, C_DIM + NCAT*CAT_DIM]
    x = tp.sum(axis=1)                                 # [B, C_DIM + NCAT*CAT_DIM]
    h = jnp.concatenate([x, u], axis=1)                # [B, IN_DIM]
    h = h @ W + b                                      # [B, 1]
    pred = jax.nn.sigmoid(h)
    return pred

if __name__ == "__main__":
    import jax
    _d = setup_inputs()
    print(jax.jit(kernel)(*tuple(_d.values())))

</pallas_src>

<mosaic_0001>
#map = affine_map<(d0, d1) -> (0)>
#map1 = affine_map<(d0, d1) -> (0, 0, 0)>
module attributes {stable_mosaic.version = 14 : i64} {
  func.func @k(%arg0: i32, %arg1: i32, %arg2: memref<10000xf32, #tpu.memory_space<hbm>>, %arg3: memref<10000xf32, #tpu.memory_space<hbm>>, %arg4: memref<10000xf32, #tpu.memory_space<hbm>>, %arg5: memref<10000xf32, #tpu.memory_space<hbm>>, %arg6: memref<100000xf32, #tpu.memory_space<hbm>>, %arg7: memref<128x50x512xi32, #tpu.memory_space<hbm>>, %arg8: memref<32x50x512xi32, #tpu.memory_space<hbm>>, %arg9: memref<16384xi32, #tpu.memory_space<hbm>>, %arg10: memref<1015808xf32, #tpu.memory_space<hbm>>, %arg11: memref<16xf32, #tpu.memory_space<hbm>>, %arg12: memref<16384xf32, #tpu.memory_space<hbm>>, %arg13: memref<100000xf32, #tpu.memory_space<vmem>>, %arg14: memref<50x512xi32, #tpu.memory_space<vmem>>, %arg15: memref<512xf32, #tpu.memory_space<vmem>>, %arg16: memref<4x128xi32, #tpu.memory_space<vmem>>, %arg17: memref<512xf32, #tpu.memory_space<vmem>>, %arg18: memref<16xf32, #tpu.memory_space<vmem>>, %arg19: memref<!tpu.dma_semaphore, #tpu.memory_space<semaphore_mem>>) attributes {dimension_semantics = [#tpu.dimension_semantics<core_parallel>, #tpu.dimension_semantics<subcore_parallel>], iteration_bounds = array<i64: 2, 16>, scalar_prefetch = 0 : i64, scratch_operands = 7 : i64, tpu.core_type = #tpu.core_type<sc_vector_subcore>, window_params = [{transform_indices = #map}, {transform_indices = #map}, {transform_indices = #map}, {transform_indices = #map}, {transform_indices = #map}, {transform_indices = #map1}, {transform_indices = #map1}, {transform_indices = #map}, {transform_indices = #map}, {transform_indices = #map}, {transform_indices = #map}]} {
    %mul3A = arith.constant 2 : i32
    %mul3A_0 = arith.muli %arg1, %mul3A : i32
    %add3A = arith.addi %mul3A_0, %arg0 : i32
    %mul3A_1 = arith.constant 512 : i32
    %mul3A_2 = arith.muli %add3A, %mul3A_1 : i32
    %add3A_3 = arith.constant 0 : i32
    %add3A_4 = arith.addi %mul3A_2, %add3A_3 : i32
    %run_scoped3A = arith.constant 0 : i32
    "tpu.region"() ({
      %run_scoped3A_94 = tpu.sem_alloc : memref<!tpu.dma_semaphore, #tpu.memory_space<semaphore_mem>>
      %dma_start3A_95 = arith.constant 0 : i32
      %dma_start3A_96 = tpu.memref_slice %arg16[%run_scoped3A, %dma_start3A_95] : memref<4x128xi32, #tpu.memory_space<vmem>> -> memref<1x128xi32, #tpu.memory_space<vmem>>
      %dma_start3A_97 = tpu.memref_squeeze %dma_start3A_96 : memref<1x128xi32, #tpu.memory_space<vmem>> -> memref<128xi32, #tpu.memory_space<vmem>>
      %dma_start3A_98 = tpu.memref_slice %arg9[%add3A_4] : memref<16384xi32, #tpu.memory_space<hbm>> -> memref<128xi32, #tpu.memory_space<hbm>>
      %dma_start3A_99 = arith.constant 0 : i32
      %dma_start3A_100 = tpu.memref_slice %arg16[%run_scoped3A, %dma_start3A_99] : memref<4x128xi32, #tpu.memory_space<vmem>> -> memref<1x128xi32, #tpu.memory_space<vmem>>
      %dma_start3A_101 = tpu.memref_squeeze %dma_start3A_100 : memref<1x128xi32, #tpu.memory_space<vmem>> -> memref<128xi32, #tpu.memory_space<vmem>>
      %dma_start3A_102 = tpu.memref_slice %arg9[%add3A_4] : memref<16384xi32, #tpu.memory_space<hbm>> -> memref<128xi32, #tpu.memory_space<hbm>>
      tpu.enqueue_dma source(%dma_start3A_102 : memref<128xi32, #tpu.memory_space<hbm>>) target(%dma_start3A_101 : memref<128xi32, #tpu.memory_space<vmem>>) target_semaphore(%run_scoped3A_94 : memref<!tpu.dma_semaphore, #tpu.memory_space<semaphore_mem>>)
      %dma_wait3A_103 = arith.constant 0 : i32
      %dma_wait3A_104 = tpu.memref_slice %arg16[%run_scoped3A, %dma_wait3A_103] : memref<4x128xi32, #tpu.memory_space<vmem>> -> memref<1x128xi32, #tpu.memory_space<vmem>>
      %dma_wait3A_105 = tpu.memref_squeeze %dma_wait3A_104 : memref<1x128xi32, #tpu.memory_space<vmem>> -> memref<128xi32, #tpu.memory_space<vmem>>
      %dma_wait3A_106 = tpu.memref_slice %arg9[%add3A_4] : memref<16384xi32, #tpu.memory_space<hbm>> -> memref<128xi32, #tpu.memory_space<hbm>>
      %dma_wait3A_107 = arith.constant 0 : i32
      %dma_wait3A_108 = tpu.memref_slice %arg16[%run_scoped3A, %dma_wait3A_107] : memref<4x128xi32, #tpu.memory_space<vmem>> -> memref<1x128xi32, #tpu.memory_space<vmem>>
      %dma_wait3A_109 = tpu.memref_squeeze %dma_wait3A_108 : memref<1x128xi32, #tpu.memory_space<vmem>> -> memref<128xi32, #tpu.memory_space<vmem>>
      %dma_wait3A_110 = tpu.memref_slice %arg9[%add3A_4] : memref<16384xi32, #tpu.memory_space<hbm>> -> memref<128xi32, #tpu.memory_space<hbm>>
      tpu.wait_dma2 semaphore(%run_scoped3A_94 : memref<!tpu.dma_semaphore, #tpu.memory_space<semaphore_mem>>) src(%dma_wait3A_110 : memref<128xi32, #tpu.memory_space<hbm>>) dst(%dma_wait3A_109 : memref<128xi32, #tpu.memory_space<vmem>>)
      tpu.yield
    }) : () -> ()
    %add3A_5 = arith.constant 128 : i32
    %add3A_6 = arith.addi %mul3A_2, %add3A_5 : i32
    %run_scoped3A_7 = arith.constant 1 : i32
    "tpu.region"() ({
      %run_scoped3A_94 = tpu.sem_alloc : memref<!tpu.dma_semaphore, #tpu.memory_space<semaphore_mem>>
      %dma_start3A_95 = arith.constant 0 : i32
      %dma_start3A_96 = tpu.memref_slice %arg16[%run_scoped3A_7, %dma_start3A_95] : memref<4x128xi32, #tpu.memory_space<vmem>> -> memref<1x128xi32, #tpu.memory_space<vmem>>
      %dma_start3A_97 = tpu.memref_squeeze %dma_start3A_96 : memref<1x128xi32, #tpu.memory_space<vmem>> -> memref<128xi32, #tpu.memory_space<vmem>>
      %dma_start3A_98 = tpu.memref_slice %arg9[%add3A_6] : memref<16384xi32, #tpu.memory_space<hbm>> -> memref<128xi32, #tpu.memory_space<hbm>>
      %dma_start3A_99 = arith.constant 0 : i32
      %dma_start3A_100 = tpu.memref_slice %arg16[%run_scoped3A_7, %dma_start3A_99] : memref<4x128xi32, #tpu.memory_space<vmem>> -> memref<1x128xi32, #tpu.memory_space<vmem>>
      %dma_start3A_101 = tpu.memref_squeeze %dma_start3A_100 : memref<1x128xi32, #tpu.memory_space<vmem>> -> memref<128xi32, #tpu.memory_space<vmem>>
      %dma_start3A_102 = tpu.memref_slice %arg9[%add3A_6] : memref<16384xi32, #tpu.memory_space<hbm>> -> memref<128xi32, #tpu.memory_space<hbm>>
      tpu.enqueue_dma source(%dma_start3A_102 : memref<128xi32, #tpu.memory_space<hbm>>) target(%dma_start3A_101 : memref<128xi32, #tpu.memory_space<vmem>>) target_semaphore(%run_scoped3A_94 : memref<!tpu.dma_semaphore, #tpu.memory_space<semaphore_mem>>)
      %dma_wait3A_103 = arith.constant 0 : i32
      %dma_wait3A_104 = tpu.memref_slice %arg16[%run_scoped3A_7, %dma_wait3A_103] : memref<4x128xi32, #tpu.memory_space<vmem>> -> memref<1x128xi32, #tpu.memory_space<vmem>>
      %dma_wait3A_105 = tpu.memref_squeeze %dma_wait3A_104 : memref<1x128xi32, #tpu.memory_space<vmem>> -> memref<128xi32, #tpu.memory_space<vmem>>
      %dma_wait3A_106 = tpu.memref_slice %arg9[%add3A_6] : memref<16384xi32, #tpu.memory_space<hbm>> -> memref<128xi32, #tpu.memory_space<hbm>>
      %dma_wait3A_107 = arith.constant 0 : i32
      %dma_wait3A_108 = tpu.memref_slice %arg16[%run_scoped3A_7, %dma_wait3A_107] : memref<4x128xi32, #tpu.memory_space<vmem>> -> memref<1x128xi32, #tpu.memory_space<vmem>>
      %dma_wait3A_109 = tpu.memref_squeeze %dma_wait3A_108 : memref<1x128xi32, #tpu.memory_space<vmem>> -> memref<128xi32, #tpu.memory_space<vmem>>
      %dma_wait3A_110 = tpu.memref_slice %arg9[%add3A_6] : memref<16384xi32, #tpu.memory_space<hbm>> -> memref<128xi32, #tpu.memory_space<hbm>>
      tpu.wait_dma2 semaphore(%run_scoped3A_94 : memref<!tpu.dma_semaphore, #tpu.memory_space<semaphore_mem>>) src(%dma_wait3A_110 : memref<128xi32, #tpu.memory_space<hbm>>) dst(%dma_wait3A_109 : memref<128xi32, #tpu.memory_space<vmem>>)
      tpu.yield
    }) : () -> ()
    %add3A_8 = arith.constant 256 : i32
    %add3A_9 = arith.addi %mul3A_2, %add3A_8 : i32
    %run_scoped3A_10 = arith.constant 2 : i32
    "tpu.region"() ({
      %run_scoped3A_94 = tpu.sem_alloc : memref<!tpu.dma_semaphore, #tpu.memory_space<semaphore_mem>>
      %dma_start3A_95 = arith.constant 0 : i32
      %dma_start3A_96 = tpu.memref_slice %arg16[%run_scoped3A_10, %dma_start3A_95] : memref<4x128xi32, #tpu.memory_space<vmem>> -> memref<1x128xi32, #tpu.memory_space<vmem>>
      %dma_start3A_97 = tpu.memref_squeeze %dma_start3A_96 : memref<1x128xi32, #tpu.memory_space<vmem>> -> memref<128xi32, #tpu.memory_space<vmem>>
      %dma_start3A_98 = tpu.memref_slice %arg9[%add3A_9] : memref<16384xi32, #tpu.memory_space<hbm>> -> memref<128xi32, #tpu.memory_space<hbm>>
      %dma_start3A_99 = arith.constant 0 : i32
      %dma_start3A_100 = tpu.memref_slice %arg16[%run_scoped3A_10, %dma_start3A_99] : memref<4x128xi32, #tpu.memory_space<vmem>> -> memref<1x128xi32, #tpu.memory_space<vmem>>
      %dma_start3A_101 = tpu.memref_squeeze %dma_start3A_100 : memref<1x128xi32, #tpu.memory_space<vmem>> -> memref<128xi32, #tpu.memory_space<vmem>>
      %dma_start3A_102 = tpu.memref_slice %arg9[%add3A_9] : memref<16384xi32, #tpu.memory_space<hbm>> -> memref<128xi32, #tpu.memory_space<hbm>>
      tpu.enqueue_dma source(%dma_start3A_102 : memref<128xi32, #tpu.memory_space<hbm>>) target(%dma_start3A_101 : memref<128xi32, #tpu.memory_space<vmem>>) target_semaphore(%run_scoped3A_94 : memref<!tpu.dma_semaphore, #tpu.memory_space<semaphore_mem>>)
      %dma_wait3A_103 = arith.constant 0 : i32
      %dma_wait3A_104 = tpu.memref_slice %arg16[%run_scoped3A_10, %dma_wait3A_103] : memref<4x128xi32, #tpu.memory_space<vmem>> -> memref<1x128xi32, #tpu.memory_space<vmem>>
      %dma_wait3A_105 = tpu.memref_squeeze %dma_wait3A_104 : memref<1x128xi32, #tpu.memory_space<vmem>> -> memref<128xi32, #tpu.memory_space<vmem>>
      %dma_wait3A_106 = tpu.memref_slice %arg9[%add3A_9] : memref<16384xi32, #tpu.memory_space<hbm>> -> memref<128xi32, #tpu.memory_space<hbm>>
      %dma_wait3A_107 = arith.constant 0 : i32
      %dma_wait3A_108 = tpu.memref_slice %arg16[%run_scoped3A_10, %dma_wait3A_107] : memref<4x128xi32, #tpu.memory_space<vmem>> -> memref<1x128xi32, #tpu.memory_space<vmem>>
      %dma_wait3A_109 = tpu.memref_squeeze %dma_wait3A_108 : memref<1x128xi32, #tpu.memory_space<vmem>> -> memref<128xi32, #tpu.memory_space<vmem>>
      %dma_wait3A_110 = tpu.memref_slice %arg9[%add3A_9] : memref<16384xi32, #tpu.memory_space<hbm>> -> memref<128xi32, #tpu.memory_space<hbm>>
      tpu.wait_dma2 semaphore(%run_scoped3A_94 : memref<!tpu.dma_semaphore, #tpu.memory_space<semaphore_mem>>) src(%dma_wait3A_110 : memref<128xi32, #tpu.memory_space<hbm>>) dst(%dma_wait3A_109 : memref<128xi32, #tpu.memory_space<vmem>>)
      tpu.yield
    }) : () -> ()
    %add3A_11 = arith.constant 384 : i32
    %add3A_12 = arith.addi %mul3A_2, %add3A_11 : i32
    %run_scoped3A_13 = arith.constant 3 : i32
    "tpu.region"() ({
      %run_scoped3A_94 = tpu.sem_alloc : memref<!tpu.dma_semaphore, #tpu.memory_space<semaphore_mem>>
      %dma_start3A_95 = arith.constant 0 : i32
      %dma_start3A_96 = tpu.memref_slice %arg16[%run_scoped3A_13, %dma_start3A_95] : memref<4x128xi32, #tpu.memory_space<vmem>> -> memref<1x128xi32, #tpu.memory_space<vmem>>
      %dma_start3A_97 = tpu.memref_squeeze %dma_start3A_96 : memref<1x128xi32, #tpu.memory_space<vmem>> -> memref<128xi32, #tpu.memory_space<vmem>>
      %dma_start3A_98 = tpu.memref_slice %arg9[%add3A_12] : memref<16384xi32, #tpu.memory_space<hbm>> -> memref<128xi32, #tpu.memory_space<hbm>>
      %dma_start3A_99 = arith.constant 0 : i32
      %dma_start3A_100 = tpu.memref_slice %arg16[%run_scoped3A_13, %dma_start3A_99] : memref<4x128xi32, #tpu.memory_space<vmem>> -> memref<1x128xi32, #tpu.memory_space<vmem>>
      %dma_start3A_101 = tpu.memref_squeeze %dma_start3A_100 : memref<1x128xi32, #tpu.memory_space<vmem>> -> memref<128xi32, #tpu.memory_space<vmem>>
      %dma_start3A_102 = tpu.memref_slice %arg9[%add3A_12] : memref<16384xi32, #tpu.memory_space<hbm>> -> memref<128xi32, #tpu.memory_space<hbm>>
      tpu.enqueue_dma source(%dma_start3A_102 : memref<128xi32, #tpu.memory_space<hbm>>) target(%dma_start3A_101 : memref<128xi32, #tpu.memory_space<vmem>>) target_semaphore(%run_scoped3A_94 : memref<!tpu.dma_semaphore, #tpu.memory_space<semaphore_mem>>)
      %dma_wait3A_103 = arith.constant 0 : i32
      %dma_wait3A_104 = tpu.memref_slice %arg16[%run_scoped3A_13, %dma_wait3A_103] : memref<4x128xi32, #tpu.memory_space<vmem>> -> memref<1x128xi32, #tpu.memory_space<vmem>>
      %dma_wait3A_105 = tpu.memref_squeeze %dma_wait3A_104 : memref<1x128xi32, #tpu.memory_space<vmem>> -> memref<128xi32, #tpu.memory_space<vmem>>
      %dma_wait3A_106 = tpu.memref_slice %arg9[%add3A_12] : memref<16384xi32, #tpu.memory_space<hbm>> -> memref<128xi32, #tpu.memory_space<hbm>>
      %dma_wait3A_107 = arith.constant 0 : i32
      %dma_wait3A_108 = tpu.memref_slice %arg16[%run_scoped3A_13, %dma_wait3A_107] : memref<4x128xi32, #tpu.memory_space<vmem>> -> memref<1x128xi32, #tpu.memory_space<vmem>>
      %dma_wait3A_109 = tpu.memref_squeeze %dma_wait3A_108 : memref<1x128xi32, #tpu.memory_space<vmem>> -> memref<128xi32, #tpu.memory_space<vmem>>
      %dma_wait3A_110 = tpu.memref_slice %arg9[%add3A_12] : memref<16384xi32, #tpu.memory_space<hbm>> -> memref<128xi32, #tpu.memory_space<hbm>>
      tpu.wait_dma2 semaphore(%run_scoped3A_94 : memref<!tpu.dma_semaphore, #tpu.memory_space<semaphore_mem>>) src(%dma_wait3A_110 : memref<128xi32, #tpu.memory_space<hbm>>) dst(%dma_wait3A_109 : memref<128xi32, #tpu.memory_space<vmem>>)
      tpu.yield
    }) : () -> ()
    %dma_start3A = arith.constant 0 : i32
    %dma_start3A_14 = arith.constant 0 : i32
    %dma_start3A_15 = tpu.memref_slice %arg17[%dma_start3A_14] : memref<512xf32, #tpu.memory_space<vmem>> -> memref<128xf32, #tpu.memory_space<vmem>>
    %dma_start3A_16 = arith.constant 0 : i32
    %dma_start3A_17 = tpu.memref_slice %arg16[%dma_start3A, %dma_start3A_16] : memref<4x128xi32, #tpu.memory_space<vmem>> -> memref<1x128xi32, #tpu.memory_space<vmem>>
    %dma_start3A_18 = tpu.memref_squeeze %dma_start3A_17 : memref<1x128xi32, #tpu.memory_space<vmem>> -> memref<128xi32, #tpu.memory_space<vmem>>
    %dma_start3A_19 = arith.constant 0 : i32
    %dma_start3A_20 = tpu.memref_slice %arg10[%dma_start3A_19] : memref<1015808xf32, #tpu.memory_space<hbm>> -> memref<1015808xf32, #tpu.memory_space<hbm>>
    tpu.enqueue_indirect_dma source(%dma_start3A_20 : memref<1015808xf32, #tpu.memory_space<hbm>>) target(%dma_start3A_15 : memref<128xf32, #tpu.memory_space<vmem>>) offsets(%dma_start3A_18 : memref<128xi32, #tpu.memory_space<vmem>>) semaphore(%arg19 : memref<!tpu.dma_semaphore, #tpu.memory_space<semaphore_mem>>)
    %dma_start3A_21 = arith.constant 1 : i32
    %dma_start3A_22 = arith.constant 128 : i32
    %dma_start3A_23 = tpu.memref_slice %arg17[%dma_start3A_22] : memref<512xf32, #tpu.memory_space<vmem>> -> memref<128xf32, #tpu.memory_space<vmem>>
    %dma_start3A_24 = arith.constant 0 : i32
    %dma_start3A_25 = tpu.memref_slice %arg16[%dma_start3A_21, %dma_start3A_24] : memref<4x128xi32, #tpu.memory_space<vmem>> -> memref<1x128xi32, #tpu.memory_space<vmem>>
    %dma_start3A_26 = tpu.memref_squeeze %dma_start3A_25 : memref<1x128xi32, #tpu.memory_space<vmem>> -> memref<128xi32, #tpu.memory_space<vmem>>
    %dma_start3A_27 = arith.constant 0 : i32
    %dma_start3A_28 = tpu.memref_slice %arg10[%dma_start3A_27] : memref<1015808xf32, #tpu.memory_space<hbm>> -> memref<1015808xf32, #tpu.memory_space<hbm>>
    tpu.enqueue_indirect_dma source(%dma_start3A_28 : memref<1015808xf32, #tpu.memory_space<hbm>>) target(%dma_start3A_23 : memref<128xf32, #tpu.memory_space<vmem>>) offsets(%dma_start3A_26 : memref<128xi32, #tpu.memory_space<vmem>>) semaphore(%arg19 : memref<!tpu.dma_semaphore, #tpu.memory_space<semaphore_mem>>)
    %dma_start3A_29 = arith.constant 2 : i32
    %dma_start3A_30 = arith.constant 256 : i32
    %dma_start3A_31 = tpu.memref_slice %arg17[%dma_start3A_30] : memref<512xf32, #tpu.memory_space<vmem>> -> memref<128xf32, #tpu.memory_space<vmem>>
    %dma_start3A_32 = arith.constant 0 : i32
    %dma_start3A_33 = tpu.memref_slice %arg16[%dma_start3A_29, %dma_start3A_32] : memref<4x128xi32, #tpu.memory_space<vmem>> -> memref<1x128xi32, #tpu.memory_space<vmem>>
    %dma_start3A_34 = tpu.memref_squeeze %dma_start3A_33 : memref<1x128xi32, #tpu.memory_space<vmem>> -> memref<128xi32, #tpu.memory_space<vmem>>
    %dma_start3A_35 = arith.constant 0 : i32
    %dma_start3A_36 = tpu.memref_slice %arg10[%dma_start3A_35] : memref<1015808xf32, #tpu.memory_space<hbm>> -> memref<1015808xf32, #tpu.memory_space<hbm>>
    tpu.enqueue_indirect_dma source(%dma_start3A_36 : memref<1015808xf32, #tpu.memory_space<hbm>>) target(%dma_start3A_31 : memref<128xf32, #tpu.memory_space<vmem>>) offsets(%dma_start3A_34 : memref<128xi32, #tpu.memory_space<vmem>>) semaphore(%arg19 : memref<!tpu.dma_semaphore, #tpu.memory_space<semaphore_mem>>)
    %dma_start3A_37 = arith.constant 3 : i32
    %dma_start3A_38 = arith.constant 384 : i32
    %dma_start3A_39 = tpu.memref_slice %arg17[%dma_start3A_38] : memref<512xf32, #tpu.memory_space<vmem>> -> memref<128xf32, #tpu.memory_space<vmem>>
    %dma_start3A_40 = arith.constant 0 : i32
    %dma_start3A_41 = tpu.memref_slice %arg16[%dma_start3A_37, %dma_start3A_40] : memref<4x128xi32, #tpu.memory_space<vmem>> -> memref<1x128xi32, #tpu.memory_space<vmem>>
    %dma_start3A_42 = tpu.memref_squeeze %dma_start3A_41 : memref<1x128xi32, #tpu.memory_space<vmem>> -> memref<128xi32, #tpu.memory_space<vmem>>
    %dma_start3A_43 = arith.constant 0 : i32
    %dma_start3A_44 = tpu.memref_slice %arg10[%dma_start3A_43] : memref<1015808xf32, #tpu.memory_space<hbm>> -> memref<1015808xf32, #tpu.memory_space<hbm>>
    tpu.enqueue_indirect_dma source(%dma_start3A_44 : memref<1015808xf32, #tpu.memory_space<hbm>>) target(%dma_start3A_39 : memref<128xf32, #tpu.memory_space<vmem>>) offsets(%dma_start3A_42 : memref<128xi32, #tpu.memory_space<vmem>>) semaphore(%arg19 : memref<!tpu.dma_semaphore, #tpu.memory_space<semaphore_mem>>)
    "tpu.region"() ({
      %run_scoped3A_94 = tpu.sem_alloc : memref<!tpu.dma_semaphore, #tpu.memory_space<semaphore_mem>>
      tpu.enqueue_dma source(%arg11 : memref<16xf32, #tpu.memory_space<hbm>>) target(%arg18 : memref<16xf32, #tpu.memory_space<vmem>>) target_semaphore(%run_scoped3A_94 : memref<!tpu.dma_semaphore, #tpu.memory_space<semaphore_mem>>)
      tpu.wait_dma2 semaphore(%run_scoped3A_94 : memref<!tpu.dma_semaphore, #tpu.memory_space<semaphore_mem>>) src(%arg11 : memref<16xf32, #tpu.memory_space<hbm>>) dst(%arg18 : memref<16xf32, #tpu.memory_space<vmem>>)
      tpu.yield
    }) : () -> ()
    "tpu.region"() ({
      %run_scoped3A_94 = tpu.sem_alloc : memref<!tpu.dma_semaphore, #tpu.memory_space<semaphore_mem>>
      %dma_start3A_95 = arith.constant 0 : i32
      %dma_start3A_96 = tpu.memref_slice %arg13[%dma_start3A_95] : memref<100000xf32, #tpu.memory_space<vmem>> -> memref<10000xf32, #tpu.memory_space<vmem>>
      %dma_start3A_97 = arith.constant 0 : i32
      %dma_start3A_98 = tpu.memref_slice %arg13[%dma_start3A_97] : memref<100000xf32, #tpu.memory_space<vmem>> -> memref<10000xf32, #tpu.memory_space<vmem>>
      tpu.enqueue_dma source(%arg2 : memref<10000xf32, #tpu.memory_space<hbm>>) target(%dma_start3A_98 : memref<10000xf32, #tpu.memory_space<vmem>>) target_semaphore(%run_scoped3A_94 : memref<!tpu.dma_semaphore, #tpu.memory_space<semaphore_mem>>)
      %dma_wait3A_99 = arith.constant 0 : i32
      %dma_wait3A_100 = tpu.memref_slice %arg13[%dma_wait3A_99] : memref<100000xf32, #tpu.memory_space<vmem>> -> memref<10000xf32, #tpu.memory_space<vmem>>
      %dma_wait3A_101 = arith.constant 0 : i32
      %dma_wait3A_102 = tpu.memref_slice %arg13[%dma_wait3A_101] : memref<100000xf32, #tpu.memory_space<vmem>> -> memref<10000xf32, #tpu.memory_space<vmem>>
      tpu.wait_dma2 semaphore(%run_scoped3A_94 : memref<!tpu.dma_semaphore, #tpu.memory_space<semaphore_mem>>) src(%arg2 : memref<10000xf32, #tpu.memory_space<hbm>>) dst(%dma_wait3A_102 : memref<10000xf32, #tpu.memory_space<vmem>>)
      tpu.yield
    }) : () -> ()
    "tpu.region"() ({
      %run_scoped3A_94 = tpu.sem_alloc : memref<!tpu.dma_semaphore, #tpu.memory_space<semaphore_mem>>
      %dma_start3A_95 = arith.constant 10000 : i32
      %dma_start3A_96 = tpu.memref_slice %arg13[%dma_start3A_95] : memref<100000xf32, #tpu.memory_space<vmem>> -> memref<10000xf32, #tpu.memory_space<vmem>>
      %dma_start3A_97 = arith.constant 10000 : i32
      %dma_start3A_98 = tpu.memref_slice %arg13[%dma_start3A_97] : memref<100000xf32, #tpu.memory_space<vmem>> -> memref<10000xf32, #tpu.memory_space<vmem>>
      tpu.enqueue_dma source(%arg3 : memref<10000xf32, #tpu.memory_space<hbm>>) target(%dma_start3A_98 : memref<10000xf32, #tpu.memory_space<vmem>>) target_semaphore(%run_scoped3A_94 : memref<!tpu.dma_semaphore, #tpu.memory_space<semaphore_mem>>)
      %dma_wait3A_99 = arith.constant 10000 : i32
      %dma_wait3A_100 = tpu.memref_slice %arg13[%dma_wait3A_99] : memref<100000xf32, #tpu.memory_space<vmem>> -> memref<10000xf32, #tpu.memory_space<vmem>>
      %dma_wait3A_101 = arith.constant 10000 : i32
      %dma_wait3A_102 = tpu.memref_slice %arg13[%dma_wait3A_101] : memref<100000xf32, #tpu.memory_space<vmem>> -> memref<10000xf32, #tpu.memory_space<vmem>>
      tpu.wait_dma2 semaphore(%run_scoped3A_94 : memref<!tpu.dma_semaphore, #tpu.memory_space<semaphore_mem>>) src(%arg3 : memref<10000xf32, #tpu.memory_space<hbm>>) dst(%dma_wait3A_102 : memref<10000xf32, #tpu.memory_space<vmem>>)
      tpu.yield
    }) : () -> ()
    "tpu.region"() ({
      %run_scoped3A_94 = tpu.sem_alloc : memref<!tpu.dma_semaphore, #tpu.memory_space<semaphore_mem>>
      %dma_start3A_95 = arith.constant 20000 : i32
      %dma_start3A_96 = tpu.memref_slice %arg13[%dma_start3A_95] : memref<100000xf32, #tpu.memory_space<vmem>> -> memref<10000xf32, #tpu.memory_space<vmem>>
      %dma_start3A_97 = arith.constant 20000 : i32
      %dma_start3A_98 = tpu.memref_slice %arg13[%dma_start3A_97] : memref<100000xf32, #tpu.memory_space<vmem>> -> memref<10000xf32, #tpu.memory_space<vmem>>
      tpu.enqueue_dma source(%arg4 : memref<10000xf32, #tpu.memory_space<hbm>>) target(%dma_start3A_98 : memref<10000xf32, #tpu.memory_space<vmem>>) target_semaphore(%run_scoped3A_94 : memref<!tpu.dma_semaphore, #tpu.memory_space<semaphore_mem>>)
      %dma_wait3A_99 = arith.constant 20000 : i32
      %dma_wait3A_100 = tpu.memref_slice %arg13[%dma_wait3A_99] : memref<100000xf32, #tpu.memory_space<vmem>> -> memref<10000xf32, #tpu.memory_space<vmem>>
      %dma_wait3A_101 = arith.constant 20000 : i32
      %dma_wait3A_102 = tpu.memref_slice %arg13[%dma_wait3A_101] : memref<100000xf32, #tpu.memory_space<vmem>> -> memref<10000xf32, #tpu.memory_space<vmem>>
      tpu.wait_dma2 semaphore(%run_scoped3A_94 : memref<!tpu.dma_semaphore, #tpu.memory_space<semaphore_mem>>) src(%arg4 : memref<10000xf32, #tpu.memory_space<hbm>>) dst(%dma_wait3A_102 : memref<10000xf32, #tpu.memory_space<vmem>>)
      tpu.yield
    }) : () -> ()
    "tpu.region"() ({
      %run_scoped3A_94 = tpu.sem_alloc : memref<!tpu.dma_semaphore, #tpu.memory_space<semaphore_mem>>
      %dma_start3A_95 = arith.constant 30000 : i32
      %dma_start3A_96 = tpu.memref_slice %arg13[%dma_start3A_95] : memref<100000xf32, #tpu.memory_space<vmem>> -> memref<10000xf32, #tpu.memory_space<vmem>>
      %dma_start3A_97 = arith.constant 30000 : i32
      %dma_start3A_98 = tpu.memref_slice %arg13[%dma_start3A_97] : memref<100000xf32, #tpu.memory_space<vmem>> -> memref<10000xf32, #tpu.memory_space<vmem>>
      tpu.enqueue_dma source(%arg5 : memref<10000xf32, #tpu.memory_space<hbm>>) target(%dma_start3A_98 : memref<10000xf32, #tpu.memory_space<vmem>>) target_semaphore(%run_scoped3A_94 : memref<!tpu.dma_semaphore, #tpu.memory_space<semaphore_mem>>)
      %dma_wait3A_99 = arith.constant 30000 : i32
      %dma_wait3A_100 = tpu.memref_slice %arg13[%dma_wait3A_99] : memref<100000xf32, #tpu.memory_space<vmem>> -> memref<10000xf32, #tpu.memory_space<vmem>>
      %dma_wait3A_101 = arith.constant 30000 : i32
      %dma_wait3A_102 = tpu.memref_slice %arg13[%dma_wait3A_101] : memref<100000xf32, #tpu.memory_space<vmem>> -> memref<10000xf32, #tpu.memory_space<vmem>>
      tpu.wait_dma2 semaphore(%run_scoped3A_94 : memref<!tpu.dma_semaphore, #tpu.memory_space<semaphore_mem>>) src(%arg5 : memref<10000xf32, #tpu.memory_space<hbm>>) dst(%dma_wait3A_102 : memref<10000xf32, #tpu.memory_space<vmem>>)
      tpu.yield
    }) : () -> ()
    %scan3A = arith.constant 0 : i32
    %scan3A_45 = arith.constant 0 : i32
    %scan3A_46 = arith.constant 4 : i32
    %scan3A_47 = arith.addi %scan3A_45, %scan3A_46 : i32
    %scan3A_48 = arith.constant 1 : i32
    scf.for %scan3A_94 = %scan3A_45 to %scan3A_47 step %scan3A_48  : i32 {
      %mul3A_95 = arith.constant 4 : i32
      %mul3A_96 = arith.muli %mul3A_95, %add3A : i32
      %add3A_97 = arith.addi %mul3A_96, %scan3A_94 : i32
      "tpu.region"() ({
        %run_scoped3A_104 = tpu.sem_alloc : memref<!tpu.dma_semaphore, #tpu.memory_space<semaphore_mem>>
        %dma_start3A_105 = arith.constant 0 : i32
        %dma_start3A_106 = arith.constant 0 : i32
        %dma_start3A_107 = tpu.memref_slice %arg7[%add3A_97, %dma_start3A_105, %dma_start3A_106] : memref<128x50x512xi32, #tpu.memory_space<hbm>> -> memref<1x50x512xi32, #tpu.memory_space<hbm>>
        %dma_start3A_108 = tpu.memref_squeeze %dma_start3A_107 : memref<1x50x512xi32, #tpu.memory_space<hbm>> -> memref<50x512xi32, #tpu.memory_space<hbm>>
        %dma_start3A_109 = arith.constant 0 : i32
        %dma_start3A_110 = arith.constant 0 : i32
        %dma_start3A_111 = tpu.memref_slice %arg7[%add3A_97, %dma_start3A_109, %dma_start3A_110] : memref<128x50x512xi32, #tpu.memory_space<hbm>> -> memref<1x50x512xi32, #tpu.memory_space<hbm>>
        %dma_start3A_112 = tpu.memref_squeeze %dma_start3A_111 : memref<1x50x512xi32, #tpu.memory_space<hbm>> -> memref<50x512xi32, #tpu.memory_space<hbm>>
        tpu.enqueue_dma source(%dma_start3A_112 : memref<50x512xi32, #tpu.memory_space<hbm>>) target(%arg14 : memref<50x512xi32, #tpu.memory_space<vmem>>) target_semaphore(%run_scoped3A_104 : memref<!tpu.dma_semaphore, #tpu.memory_space<semaphore_mem>>)
        %dma_wait3A_113 = arith.constant 0 : i32
        %dma_wait3A_114 = arith.constant 0 : i32
        %dma_wait3A_115 = tpu.memref_slice %arg7[%add3A_97, %dma_wait3A_113, %dma_wait3A_114] : memref<128x50x512xi32, #tpu.memory_space<hbm>> -> memref<1x50x512xi32, #tpu.memory_space<hbm>>
        %dma_wait3A_116 = tpu.memref_squeeze %dma_wait3A_115 : memref<1x50x512xi32, #tpu.memory_space<hbm>> -> memref<50x512xi32, #tpu.memory_space<hbm>>
        %dma_wait3A_117 = arith.constant 0 : i32
        %dma_wait3A_118 = arith.constant 0 : i32
        %dma_wait3A_119 = tpu.memref_slice %arg7[%add3A_97, %dma_wait3A_117, %dma_wait3A_118] : memref<128x50x512xi32, #tpu.memory_space<hbm>> -> memref<1x50x512xi32, #tpu.memory_space<hbm>>
        %dma_wait3A_120 = tpu.memref_squeeze %dma_wait3A_119 : memref<1x50x512xi32, #tpu.memory_space<hbm>> -> memref<50x512xi32, #tpu.memory_space<hbm>>
        tpu.wait_dma2 semaphore(%run_scoped3A_104 : memref<!tpu.dma_semaphore, #tpu.memory_space<semaphore_mem>>) src(%dma_wait3A_120 : memref<50x512xi32, #tpu.memory_space<hbm>>) dst(%arg14 : memref<50x512xi32, #tpu.memory_space<vmem>>)
        tpu.yield
      }) : () -> ()
      %scan3A_98 = arith.constant 0 : i32
      %scan3A_99 = arith.constant 0 : i32
      %scan3A_100 = arith.constant 8 : i32
      %scan3A_101 = arith.addi %scan3A_99, %scan3A_100 : i32
      %scan3A_102 = arith.constant 1 : i32
      scf.for %scan3A_104 = %scan3A_99 to %scan3A_101 step %scan3A_102  : i32 {
        %mul3A_105 = arith.constant 16 : i32
        %mul3A_106 = arith.muli %scan3A_104, %mul3A_105 : i32
        %broadcast_in_dim3A = arith.constant 0.000000e+00 : f32
        %broadcast_in_dim3A_107 = vector.broadcast %broadcast_in_dim3A : f32 to vector<16xf32>
        %scan3A_108 = arith.constant 0 : i32
        %scan3A_109 = arith.constant 50 : i32
        %scan3A_110 = arith.addi %scan3A_108, %scan3A_109 : i32
        %scan3A_111 = arith.constant 1 : i32
        %scan3A_112 = scf.for %scan3A_118 = %scan3A_108 to %scan3A_110 step %scan3A_111 iter_args(%scan3A_119 = %broadcast_in_dim3A_107) -> (vector<16xf32>)  : i32 {
          %add3A_120 = arith.constant 0 : i32
          %add3A_121 = arith.addi %add3A_120, %mul3A_106 : i32
          %get3A_122 = arith.index_cast %scan3A_118 : i32 to index
          %get3A_123 = arith.index_cast %add3A_121 : i32 to index
          %get3A_124 = tpu.vector_load %arg14[%get3A_122, %get3A_123] {strides = array<i32>} : memref<50x512xi32, #tpu.memory_space<vmem>>, vector<16xi32>,
          %add3A_125 = arith.constant 0 : i32
          %add3A_126 = vector.broadcast %add3A_125 : i32 to vector<16xi32>
          %add3A_127 = arith.addi %get3A_124, %add3A_126 : vector<16xi32>
          %gather3A = tpu.vector_load_idx %arg13[%add3A_127] : memref<100000xf32, #tpu.memory_space<vmem>>[vector<16xi32>], vector<16xf32>,
          %add3A_128 = arith.addf %scan3A_119, %gather3A : vector<16xf32>
          %add3A_129 = arith.constant 128 : i32
          %add3A_130 = arith.addi %add3A_129, %mul3A_106 : i32
          %get3A_131 = arith.index_cast %scan3A_118 : i32 to index
          %get3A_132 = arith.index_cast %add3A_130 : i32 to index
          %get3A_133 = tpu.vector_load %arg14[%get3A_131, %get3A_132] {strides = array<i32>} : memref<50x512xi32, #tpu.memory_space<vmem>>, vector<16xi32>,
          %add3A_134 = arith.constant 10000 : i32
          %add3A_135 = vector.broadcast %add3A_134 : i32 to vector<16xi32>
          %add3A_136 = arith.addi %get3A_133, %add3A_135 : vector<16xi32>
          %gather3A_137 = tpu.vector_load_idx %arg13[%add3A_136] : memref<100000xf32, #tpu.memory_space<vmem>>[vector<16xi32>], vector<16xf32>,
          %add3A_138 = arith.addf %add3A_128, %gather3A_137 : vector<16xf32>
          %add3A_139 = arith.constant 256 : i32
          %add3A_140 = arith.addi %add3A_139, %mul3A_106 : i32
          %get3A_141 = arith.index_cast %scan3A_118 : i32 to index
          %get3A_142 = arith.index_cast %add3A_140 : i32 to index
          %get3A_143 = tpu.vector_load %arg14[%get3A_141, %get3A_142] {strides = array<i32>} : memref<50x512xi32, #tpu.memory_space<vmem>>, vector<16xi32>,
          %add3A_144 = arith.constant 20000 : i32
          %add3A_145 = vector.broadcast %add3A_144 : i32 to vector<16xi32>
          %add3A_146 = arith.addi %get3A_143, %add3A_145 : vector<16xi32>
          %gather3A_147 = tpu.vector_load_idx %arg13[%add3A_146] : memref<100000xf32, #tpu.memory_space<vmem>>[vector<16xi32>], vector<16xf32>,
          %add3A_148 = arith.addf %add3A_138, %gather3A_147 : vector<16xf32>
          %add3A_149 = arith.constant 384 : i32
          %add3A_150 = arith.addi %add3A_149, %mul3A_106 : i32
          %get3A_151 = arith.index_cast %scan3A_118 : i32 to index
          %get3A_152 = arith.index_cast %add3A_150 : i32 to index
          %get3A_153 = tpu.vector_load %arg14[%get3A_151, %get3A_152] {strides = array<i32>} : memref<50x512xi32, #tpu.memory_space<vmem>>, vector<16xi32>,
          %add3A_154 = arith.constant 30000 : i32
          %add3A_155 = vector.broadcast %add3A_154 : i32 to vector<16xi32>
          %add3A_156 = arith.addi %get3A_153, %add3A_155 : vector<16xi32>
          %gather3A_157 = tpu.vector_load_idx %arg13[%add3A_156] : memref<100000xf32, #tpu.memory_space<vmem>>[vector<16xi32>], vector<16xf32>,
          %add3A_158 = arith.addf %add3A_148, %gather3A_157 : vector<16xf32>
          scf.yield %add3A_158 : vector<16xf32>
        }
        %scan3A_113 = arith.constant 50 : i32
        %mul3A_114 = arith.constant 128 : i32
        %mul3A_115 = arith.muli %scan3A_94, %mul3A_114 : i32
        %add3A_116 = arith.addi %mul3A_115, %mul3A_106 : i32
        %swap3A = arith.index_cast %add3A_116 : i32 to index
        %swap3A_117 = tpu.vector_load %arg15[%swap3A] {strides = array<i32>} : memref<512xf32, #tpu.memory_space<vmem>>, vector<16xf32>,
        tpu.vector_store %arg15[%swap3A], %scan3A_112 {strides = array<i32>} : memref<512xf32, #tpu.memory_space<vmem>>, vector<16xf32>,
      }
      %scan3A_103 = arith.constant 8 : i32
    }
    %scan3A_49 = arith.constant 4 : i32
    %dma_wait3A = arith.constant 0 : i32
    %dma_wait3A_50 = arith.constant 0 : i32
    %dma_wait3A_51 = tpu.memref_slice %arg17[%dma_wait3A_50] : memref<512xf32, #tpu.memory_space<vmem>> -> memref<128xf32, #tpu.memory_space<vmem>>
    %dma_wait3A_52 = arith.constant 0 : i32
    %dma_wait3A_53 = tpu.memref_slice %arg16[%dma_wait3A, %dma_wait3A_52] : memref<4x128xi32, #tpu.memory_space<vmem>> -> memref<1x128xi32, #tpu.memory_space<vmem>>
    %dma_wait3A_54 = tpu.memref_squeeze %dma_wait3A_53 : memref<1x128xi32, #tpu.memory_space<vmem>> -> memref<128xi32, #tpu.memory_space<vmem>>
    %dma_wait3A_55 = arith.constant 0 : i32
    %dma_wait3A_56 = tpu.memref_slice %arg10[%dma_wait3A_55] : memref<1015808xf32, #tpu.memory_space<hbm>> -> memref<1015808xf32, #tpu.memory_space<hbm>>
    tpu.wait_indirect_dma semaphore(%arg19 : memref<!tpu.dma_semaphore, #tpu.memory_space<semaphore_mem>>) src(%dma_wait3A_56 : memref<1015808xf32, #tpu.memory_space<hbm>>) dst(%dma_wait3A_51 : memref<128xf32, #tpu.memory_space<vmem>>)
    %dma_wait3A_57 = arith.constant 1 : i32
    %dma_wait3A_58 = arith.constant 128 : i32
    %dma_wait3A_59 = tpu.memref_slice %arg17[%dma_wait3A_58] : memref<512xf32, #tpu.memory_space<vmem>> -> memref<128xf32, #tpu.memory_space<vmem>>
    %dma_wait3A_60 = arith.constant 0 : i32
    %dma_wait3A_61 = tpu.memref_slice %arg16[%dma_wait3A_57, %dma_wait3A_60] : memref<4x128xi32, #tpu.memory_space<vmem>> -> memref<1x128xi32, #tpu.memory_space<vmem>>
    %dma_wait3A_62 = tpu.memref_squeeze %dma_wait3A_61 : memref<1x128xi32, #tpu.memory_space<vmem>> -> memref<128xi32, #tpu.memory_space<vmem>>
    %dma_wait3A_63 = arith.constant 0 : i32
    %dma_wait3A_64 = tpu.memref_slice %arg10[%dma_wait3A_63] : memref<1015808xf32, #tpu.memory_space<hbm>> -> memref<1015808xf32, #tpu.memory_space<hbm>>
    tpu.wait_indirect_dma semaphore(%arg19 : memref<!tpu.dma_semaphore, #tpu.memory_space<semaphore_mem>>) src(%dma_wait3A_64 : memref<1015808xf32, #tpu.memory_space<hbm>>) dst(%dma_wait3A_59 : memref<128xf32, #tpu.memory_space<vmem>>)
    %dma_wait3A_65 = arith.constant 2 : i32
    %dma_wait3A_66 = arith.constant 256 : i32
    %dma_wait3A_67 = tpu.memref_slice %arg17[%dma_wait3A_66] : memref<512xf32, #tpu.memory_space<vmem>> -> memref<128xf32, #tpu.memory_space<vmem>>
    %dma_wait3A_68 = arith.constant 0 : i32
    %dma_wait3A_69 = tpu.memref_slice %arg16[%dma_wait3A_65, %dma_wait3A_68] : memref<4x128xi32, #tpu.memory_space<vmem>> -> memref<1x128xi32, #tpu.memory_space<vmem>>
    %dma_wait3A_70 = tpu.memref_squeeze %dma_wait3A_69 : memref<1x128xi32, #tpu.memory_space<vmem>> -> memref<128xi32, #tpu.memory_space<vmem>>
    %dma_wait3A_71 = arith.constant 0 : i32
    %dma_wait3A_72 = tpu.memref_slice %arg10[%dma_wait3A_71] : memref<1015808xf32, #tpu.memory_space<hbm>> -> memref<1015808xf32, #tpu.memory_space<hbm>>
    tpu.wait_indirect_dma semaphore(%arg19 : memref<!tpu.dma_semaphore, #tpu.memory_space<semaphore_mem>>) src(%dma_wait3A_72 : memref<1015808xf32, #tpu.memory_space<hbm>>) dst(%dma_wait3A_67 : memref<128xf32, #tpu.memory_space<vmem>>)
    %dma_wait3A_73 = arith.constant 3 : i32
    %dma_wait3A_74 = arith.constant 384 : i32
    %dma_wait3A_75 = tpu.memref_slice %arg17[%dma_wait3A_74] : memref<512xf32, #tpu.memory_space<vmem>> -> memref<128xf32, #tpu.memory_space<vmem>>
    %dma_wait3A_76 = arith.constant 0 : i32
    %dma_wait3A_77 = tpu.memref_slice %arg16[%dma_wait3A_73, %dma_wait3A_76] : memref<4x128xi32, #tpu.memory_space<vmem>> -> memref<1x128xi32, #tpu.memory_space<vmem>>
    %dma_wait3A_78 = tpu.memref_squeeze %dma_wait3A_77 : memref<1x128xi32, #tpu.memory_space<vmem>> -> memref<128xi32, #tpu.memory_space<vmem>>
    %dma_wait3A_79 = arith.constant 0 : i32
    %dma_wait3A_80 = tpu.memref_slice %arg10[%dma_wait3A_79] : memref<1015808xf32, #tpu.memory_space<hbm>> -> memref<1015808xf32, #tpu.memory_space<hbm>>
    tpu.wait_indirect_dma semaphore(%arg19 : memref<!tpu.dma_semaphore, #tpu.memory_space<semaphore_mem>>) src(%dma_wait3A_80 : memref<1015808xf32, #tpu.memory_space<hbm>>) dst(%dma_wait3A_75 : memref<128xf32, #tpu.memory_space<vmem>>)
    %scan3A_81 = arith.constant 0 : i32
    %scan3A_82 = arith.constant 0 : i32
    %scan3A_83 = arith.constant 32 : i32
    %scan3A_84 = arith.addi %scan3A_82, %scan3A_83 : i32
    %scan3A_85 = arith.constant 1 : i32
    scf.for %scan3A_94 = %scan3A_82 to %scan3A_84 step %scan3A_85  : i32 {
      %mul3A_95 = arith.constant 16 : i32
      %mul3A_96 = arith.muli %scan3A_94, %mul3A_95 : i32
      %get3A_97 = arith.index_cast %mul3A_96 : i32 to index
      %get3A_98 = tpu.vector_load %arg17[%get3A_97] {strides = array<i32>} : memref<512xf32, #tpu.memory_space<vmem>>, vector<16xf32>,
      %mul3A_99 = arith.constant 16 : i32
      %mul3A_100 = arith.muli %scan3A_94, %mul3A_99 : i32
      %get3A_101 = arith.index_cast %mul3A_100 : i32 to index
      %get3A_102 = tpu.vector_load %arg15[%get3A_101] {strides = array<i32>} : memref<512xf32, #tpu.memory_space<vmem>>, vector<16xf32>,
      %add3A_103 = arith.addf %get3A_102, %get3A_98 : vector<16xf32>
      %mul3A_104 = arith.constant 16 : i32
      %mul3A_105 = arith.muli %scan3A_94, %mul3A_104 : i32
      %swap3A = arith.index_cast %mul3A_105 : i32 to index
      %swap3A_106 = tpu.vector_load %arg15[%swap3A] {strides = array<i32>} : memref<512xf32, #tpu.memory_space<vmem>>, vector<16xf32>,
      tpu.vector_store %arg15[%swap3A], %add3A_103 {strides = array<i32>} : memref<512xf32, #tpu.memory_space<vmem>>, vector<16xf32>,
    }
    %scan3A_86 = arith.constant 32 : i32
    "tpu.region"() ({
      %run_scoped3A_94 = tpu.sem_alloc : memref<!tpu.dma_semaphore, #tpu.memory_space<semaphore_mem>>
      tpu.enqueue_dma source(%arg6 : memref<100000xf32, #tpu.memory_space<hbm>>) target(%arg13 : memref<100000xf32, #tpu.memory_space<vmem>>) target_semaphore(%run_scoped3A_94 : memref<!tpu.dma_semaphore, #tpu.memory_space<semaphore_mem>>)
      tpu.wait_dma2 semaphore(%run_scoped3A_94 : memref<!tpu.dma_semaphore, #tpu.memory_space<semaphore_mem>>) src(%arg6 : memref<100000xf32, #tpu.memory_space<hbm>>) dst(%arg13 : memref<100000xf32, #tpu.memory_space<vmem>>)
      tpu.yield
    }) : () -> ()
    "tpu.region"() ({
      %run_scoped3A_94 = tpu.sem_alloc : memref<!tpu.dma_semaphore, #tpu.memory_space<semaphore_mem>>
      %dma_start3A_95 = arith.constant 0 : i32
      %dma_start3A_96 = arith.constant 0 : i32
      %dma_start3A_97 = tpu.memref_slice %arg8[%add3A, %dma_start3A_95, %dma_start3A_96] : memref<32x50x512xi32, #tpu.memory_space<hbm>> -> memref<1x50x512xi32, #tpu.memory_space<hbm>>
      %dma_start3A_98 = tpu.memref_squeeze %dma_start3A_97 : memref<1x50x512xi32, #tpu.memory_space<hbm>> -> memref<50x512xi32, #tpu.memory_space<hbm>>
      %dma_start3A_99 = arith.constant 0 : i32
      %dma_start3A_100 = arith.constant 0 : i32
      %dma_start3A_101 = tpu.memref_slice %arg8[%add3A, %dma_start3A_99, %dma_start3A_100] : memref<32x50x512xi32, #tpu.memory_space<hbm>> -> memref<1x50x512xi32, #tpu.memory_space<hbm>>
      %dma_start3A_102 = tpu.memref_squeeze %dma_start3A_101 : memref<1x50x512xi32, #tpu.memory_space<hbm>> -> memref<50x512xi32, #tpu.memory_space<hbm>>
      tpu.enqueue_dma source(%dma_start3A_102 : memref<50x512xi32, #tpu.memory_space<hbm>>) target(%arg14 : memref<50x512xi32, #tpu.memory_space<vmem>>) target_semaphore(%run_scoped3A_94 : memref<!tpu.dma_semaphore, #tpu.memory_space<semaphore_mem>>)
      %dma_wait3A_103 = arith.constant 0 : i32
      %dma_wait3A_104 = arith.constant 0 : i32
      %dma_wait3A_105 = tpu.memref_slice %arg8[%add3A, %dma_wait3A_103, %dma_wait3A_104] : memref<32x50x512xi32, #tpu.memory_space<hbm>> -> memref<1x50x512xi32, #tpu.memory_space<hbm>>
      %dma_wait3A_106 = tpu.memref_squeeze %dma_wait3A_105 : memref<1x50x512xi32, #tpu.memory_space<hbm>> -> memref<50x512xi32, #tpu.memory_space<hbm>>
      %dma_wait3A_107 = arith.constant 0 : i32
      %dma_wait3A_108 = arith.constant 0 : i32
      %dma_wait3A_109 = tpu.memref_slice %arg8[%add3A, %dma_wait3A_107, %dma_wait3A_108] : memref<32x50x512xi32, #tpu.memory_space<hbm>> -> memref<1x50x512xi32, #tpu.memory_space<hbm>>
      %dma_wait3A_110 = tpu.memref_squeeze %dma_wait3A_109 : memref<1x50x512xi32, #tpu.memory_space<hbm>> -> memref<50x512xi32, #tpu.memory_space<hbm>>
      tpu.wait_dma2 semaphore(%run_scoped3A_94 : memref<!tpu.dma_semaphore, #tpu.memory_space<semaphore_mem>>) src(%dma_wait3A_110 : memref<50x512xi32, #tpu.memory_space<hbm>>) dst(%arg14 : memref<50x512xi32, #tpu.memory_space<vmem>>)
      tpu.yield
    }) : () -> ()
    %get3A = arith.constant 0 : index
    %get3A_87 = tpu.vector_load %arg18[%get3A] {strides = array<i32>} : memref<16xf32, #tpu.memory_space<vmem>>, vector<16xf32>,
    %scan3A_88 = arith.constant 0 : i32
    %scan3A_89 = arith.constant 0 : i32
    %scan3A_90 = arith.constant 32 : i32
    %scan3A_91 = arith.addi %scan3A_89, %scan3A_90 : i32
    %scan3A_92 = arith.constant 1 : i32
    scf.for %scan3A_94 = %scan3A_89 to %scan3A_91 step %scan3A_92  : i32 {
      %mul3A_95 = arith.constant 16 : i32
      %mul3A_96 = arith.muli %scan3A_94, %mul3A_95 : i32
      %get3A_97 = arith.index_cast %mul3A_96 : i32 to index
      %get3A_98 = tpu.vector_load %arg15[%get3A_97] {strides = array<i32>} : memref<512xf32, #tpu.memory_space<vmem>>, vector<16xf32>,
      %scan3A_99 = arith.constant 0 : i32
      %scan3A_100 = arith.constant 50 : i32
      %scan3A_101 = arith.addi %scan3A_99, %scan3A_100 : i32
      %scan3A_102 = arith.constant 1 : i32
      %scan3A_103 = scf.for %scan3A_114 = %scan3A_99 to %scan3A_101 step %scan3A_102 iter_args(%scan3A_115 = %get3A_98) -> (vector<16xf32>)  : i32 {
        %get3A_116 = arith.index_cast %scan3A_114 : i32 to index
        %get3A_117 = arith.index_cast %mul3A_96 : i32 to index
        %get3A_118 = tpu.vector_load %arg14[%get3A_116, %get3A_117] {strides = array<i32>} : memref<50x512xi32, #tpu.memory_space<vmem>>, vector<16xi32>,
        %gather3A = tpu.vector_load_idx %arg13[%get3A_118] : memref<100000xf32, #tpu.memory_space<vmem>>[vector<16xi32>], vector<16xf32>,
        %add3A_119 = arith.addf %scan3A_115, %gather3A : vector<16xf32>
        scf.yield %add3A_119 : vector<16xf32>
      }
      %scan3A_104 = arith.constant 50 : i32
      %add3A_105 = arith.addf %scan3A_103, %get3A_87 : vector<16xf32>
      %neg3A = arith.constant 0.000000e+00 : f32
      %neg3A_106 = vector.broadcast %neg3A : f32 to vector<16xf32>
      %neg3A_107 = arith.subf %neg3A_106, %add3A_105 : vector<16xf32>
      %exp3A = math.exp %neg3A_107 : vector<16xf32>
      %add3A_108 = arith.constant 1.000000e+00 : f32
      %add3A_109 = vector.broadcast %add3A_108 : f32 to vector<16xf32>
      %add3A_110 = arith.addf %add3A_109, %exp3A : vector<16xf32>
      %div3A = arith.constant 1.000000e+00 : f32
      %div3A_111 = vector.broadcast %div3A : f32 to vector<16xf32>
      %div3A_112 = arith.divf %div3A_111, %add3A_110 : vector<16xf32>
      %swap3A = arith.index_cast %mul3A_96 : i32 to index
      %swap3A_113 = tpu.vector_load %arg15[%swap3A] {strides = array<i32>} : memref<512xf32, #tpu.memory_space<vmem>>, vector<16xf32>,
      tpu.vector_store %arg15[%swap3A], %div3A_112 {strides = array<i32>} : memref<512xf32, #tpu.memory_space<vmem>>, vector<16xf32>,
    }
    %scan3A_93 = arith.constant 32 : i32
    "tpu.region"() ({
      %run_scoped3A_94 = tpu.sem_alloc : memref<!tpu.dma_semaphore, #tpu.memory_space<semaphore_mem>>
      %dma_start3A_95 = tpu.memref_slice %arg12[%mul3A_2] : memref<16384xf32, #tpu.memory_space<hbm>> -> memref<512xf32, #tpu.memory_space<hbm>>
      %dma_start3A_96 = tpu.memref_slice %arg12[%mul3A_2] : memref<16384xf32, #tpu.memory_space<hbm>> -> memref<512xf32, #tpu.memory_space<hbm>>
      tpu.enqueue_dma source(%arg15 : memref<512xf32, #tpu.memory_space<vmem>>) target(%dma_start3A_96 : memref<512xf32, #tpu.memory_space<hbm>>) target_semaphore(%run_scoped3A_94 : memref<!tpu.dma_semaphore, #tpu.memory_space<semaphore_mem>>)
      %dma_wait3A_97 = tpu.memref_slice %arg12[%mul3A_2] : memref<16384xf32, #tpu.memory_space<hbm>> -> memref<512xf32, #tpu.memory_space<hbm>>
      %dma_wait3A_98 = tpu.memref_slice %arg12[%mul3A_2] : memref<16384xf32, #tpu.memory_space<hbm>> -> memref<512xf32, #tpu.memory_space<hbm>>
      tpu.wait_dma2 semaphore(%run_scoped3A_94 : memref<!tpu.dma_semaphore, #tpu.memory_space<semaphore_mem>>) src(%arg15 : memref<512xf32, #tpu.memory_space<vmem>>) dst(%dma_wait3A_98 : memref<512xf32, #tpu.memory_space<hbm>>)
      tpu.yield
    }) : () -> ()
    return
  }
}

module attributes {stable_mosaic.version = 14 : i64} {
  func.func @body(%arg0: memref<32x100000xf32, #tpu.memory_space<vmem>>, %arg1: memref<16x10000xf32, #tpu.memory_space<vmem>>, %arg2: memref<16x10000xf32, #tpu.memory_space<vmem>>, %arg3: memref<16x10000xf32, #tpu.memory_space<vmem>>, %arg4: memref<16x10000xf32, #tpu.memory_space<vmem>>, %arg5: memref<1x32xf32, #tpu.memory_space<vmem>>, %arg6: memref<1x16xf32, #tpu.memory_space<vmem>>, %arg7: memref<1x16xf32, #tpu.memory_space<vmem>>, %arg8: memref<1x16xf32, #tpu.memory_space<vmem>>, %arg9: memref<1x16xf32, #tpu.memory_space<vmem>>, %arg10: memref<1x100000xf32, #tpu.memory_space<vmem>>, %arg11: memref<1x10000xf32, #tpu.memory_space<vmem>>, %arg12: memref<1x10000xf32, #tpu.memory_space<vmem>>, %arg13: memref<1x10000xf32, #tpu.memory_space<vmem>>, %arg14: memref<1x10000xf32, #tpu.memory_space<vmem>>) attributes {dimension_semantics = [], scalar_prefetch = 0 : i64, scratch_operands = 0 : i64, tpu.core_type = #tpu.core_type<tc>} {
    %get3A = arith.constant 0 : index
    %get3A_0 = arith.constant 0 : index
    %get3A_1 = vector.load %arg5[%get3A, %get3A_0] : memref<1x32xf32, #tpu.memory_space<vmem>>, vector<1x32xf32>
    %get3A_2 = arith.constant 0 : index
    %get3A_3 = arith.constant 0 : index
    %get3A_4 = vector.load %arg0[%get3A_2, %get3A_3] : memref<32x100000xf32, #tpu.memory_space<vmem>>, vector<32x100000xf32>
    %dot_general3A = arith.constant dense<0.000000e+00> : vector<1x100000xf32>
    %dot_general3A_5 = tpu.matmul %get3A_1, %get3A_4, %dot_general3A {dimension_numbers = #tpu.dot_dimension_numbers<[1], [0], [0], [1], [0, 0, 1, 1], [], []>, transpose_lhs_hint = false} : vector<1x32xf32>, vector<32x100000xf32>, vector<1x100000xf32> -> vector<1x100000xf32>
    %swap3A = arith.constant 0 : index
    %swap3A_6 = arith.constant 0 : index
    %swap3A_7 = vector.load %arg10[%swap3A, %swap3A_6] : memref<1x100000xf32, #tpu.memory_space<vmem>>, vector<1x100000xf32>
    tpu.vector_store %arg10[%swap3A, %swap3A_6], %dot_general3A_5 {strides = array<i32>} : memref<1x100000xf32, #tpu.memory_space<vmem>>, vector<1x100000xf32>,
    %get3A_8 = arith.constant 0 : index
    %get3A_9 = arith.constant 0 : index
    %get3A_10 = vector.load %arg6[%get3A_8, %get3A_9] : memref<1x16xf32, #tpu.memory_space<vmem>>, vector<1x16xf32>
    %get3A_11 = arith.constant 0 : index
    %get3A_12 = arith.constant 0 : index
    %get3A_13 = vector.load %arg1[%get3A_11, %get3A_12] : memref<16x10000xf32, #tpu.memory_space<vmem>>, vector<16x10000xf32>
    %dot_general3A_14 = arith.constant dense<0.000000e+00> : vector<1x10000xf32>
    %dot_general3A_15 = tpu.matmul %get3A_10, %get3A_13, %dot_general3A_14 {dimension_numbers = #tpu.dot_dimension_numbers<[1], [0], [0], [1], [0, 0, 1, 1], [], []>, transpose_lhs_hint = false} : vector<1x16xf32>, vector<16x10000xf32>, vector<1x10000xf32> -> vector<1x10000xf32>
    %swap3A_16 = arith.constant 0 : index
    %swap3A_17 = arith.constant 0 : index
    %swap3A_18 = vector.load %arg11[%swap3A_16, %swap3A_17] : memref<1x10000xf32, #tpu.memory_space<vmem>>, vector<1x10000xf32>
    tpu.vector_store %arg11[%swap3A_16, %swap3A_17], %dot_general3A_15 {strides = array<i32>} : memref<1x10000xf32, #tpu.memory_space<vmem>>, vector<1x10000xf32>,
    %get3A_19 = arith.constant 0 : index
    %get3A_20 = arith.constant 0 : index
    %get3A_21 = vector.load %arg7[%get3A_19, %get3A_20] : memref<1x16xf32, #tpu.memory_space<vmem>>, vector<1x16xf32>
    %get3A_22 = arith.constant 0 : index
    %get3A_23 = arith.constant 0 : index
    %get3A_24 = vector.load %arg2[%get3A_22, %get3A_23] : memref<16x10000xf32, #tpu.memory_space<vmem>>, vector<16x10000xf32>
    %dot_general3A_25 = arith.constant dense<0.000000e+00> : vector<1x10000xf32>
    %dot_general3A_26 = tpu.matmul %get3A_21, %get3A_24, %dot_general3A_25 {dimension_numbers = #tpu.dot_dimension_numbers<[1], [0], [0], [1], [0, 0, 1, 1], [], []>, transpose_lhs_hint = false} : vector<1x16xf32>, vector<16x10000xf32>, vector<1x10000xf32> -> vector<1x10000xf32>
    %swap3A_27 = arith.constant 0 : index
    %swap3A_28 = arith.constant 0 : index
    %swap3A_29 = vector.load %arg12[%swap3A_27, %swap3A_28] : memref<1x10000xf32, #tpu.memory_space<vmem>>, vector<1x10000xf32>
    tpu.vector_store %arg12[%swap3A_27, %swap3A_28], %dot_general3A_26 {strides = array<i32>} : memref<1x10000xf32, #tpu.memory_space<vmem>>, vector<1x10000xf32>,
    %get3A_30 = arith.constant 0 : index
    %get3A_31 = arith.constant 0 : index
    %get3A_32 = vector.load %arg8[%get3A_30, %get3A_31] : memref<1x16xf32, #tpu.memory_space<vmem>>, vector<1x16xf32>
    %get3A_33 = arith.constant 0 : index
    %get3A_34 = arith.constant 0 : index
    %get3A_35 = vector.load %arg3[%get3A_33, %get3A_34] : memref<16x10000xf32, #tpu.memory_space<vmem>>, vector<16x10000xf32>
    %dot_general3A_36 = arith.constant dense<0.000000e+00> : vector<1x10000xf32>
    %dot_general3A_37 = tpu.matmul %get3A_32, %get3A_35, %dot_general3A_36 {dimension_numbers = #tpu.dot_dimension_numbers<[1], [0], [0], [1], [0, 0, 1, 1], [], []>, transpose_lhs_hint = false} : vector<1x16xf32>, vector<16x10000xf32>, vector<1x10000xf32> -> vector<1x10000xf32>
    %swap3A_38 = arith.constant 0 : index
    %swap3A_39 = arith.constant 0 : index
    %swap3A_40 = vector.load %arg13[%swap3A_38, %swap3A_39] : memref<1x10000xf32, #tpu.memory_space<vmem>>, vector<1x10000xf32>
    tpu.vector_store %arg13[%swap3A_38, %swap3A_39], %dot_general3A_37 {strides = array<i32>} : memref<1x10000xf32, #tpu.memory_space<vmem>>, vector<1x10000xf32>,
    %get3A_41 = arith.constant 0 : index
    %get3A_42 = arith.constant 0 : index
    %get3A_43 = vector.load %arg9[%get3A_41, %get3A_42] : memref<1x16xf32, #tpu.memory_space<vmem>>, vector<1x16xf32>
    %get3A_44 = arith.constant 0 : index
    %get3A_45 = arith.constant 0 : index
    %get3A_46 = vector.load %arg4[%get3A_44, %get3A_45] : memref<16x10000xf32, #tpu.memory_space<vmem>>, vector<16x10000xf32>
    %dot_general3A_47 = arith.constant dense<0.000000e+00> : vector<1x10000xf32>
    %dot_general3A_48 = tpu.matmul %get3A_43, %get3A_46, %dot_general3A_47 {dimension_numbers = #tpu.dot_dimension_numbers<[1], [0], [0], [1], [0, 0, 1, 1], [], []>, transpose_lhs_hint = false} : vector<1x16xf32>, vector<16x10000xf32>, vector<1x10000xf32> -> vector<1x10000xf32>
    %swap3A_49 = arith.constant 0 : index
    %swap3A_50 = arith.constant 0 : index
    %swap3A_51 = vector.load %arg14[%swap3A_49, %swap3A_50] : memref<1x10000xf32, #tpu.memory_space<vmem>>, vector<1x10000xf32>
    tpu.vector_store %arg14[%swap3A_49, %swap3A_50], %dot_general3A_48 {strides = array<i32>} : memref<1x10000xf32, #tpu.memory_space<vmem>>, vector<1x10000xf32>,
    return
  }
}

module attributes {stable_mosaic.version = 14 : i64} {
  func.func @body(%arg0: i32, %arg1: memref<1x32xf32, #tpu.memory_space<vmem>>, %arg2: memref<32x16384xf32, #tpu.memory_space<vmem>>, %arg3: memref<1x1x16384xf32, #tpu.memory_space<vmem>>) attributes {dimension_semantics = [#tpu.dimension_semantics<arbitrary>], iteration_bounds = array<i64: 62>, scalar_prefetch = 0 : i64, scratch_operands = 0 : i64, tpu.core_type = #tpu.core_type<tc>, window_params = [{pipeline_mode = #tpu.pipeline_mode<synchronous>, transform_indices = @transform_0, window_bounds = array<i64: 1, 32>}, {transform_indices = @transform_1, window_bounds = array<i64: 32, 16384>}, {transform_indices = @transform_2, window_bounds = array<i64: 1, 1, 16384>}]} {
    %get3A = arith.constant 0 : index
    %get3A_0 = arith.constant 0 : index
    %get3A_1 = vector.load %arg1[%get3A, %get3A_0] : memref<1x32xf32, #tpu.memory_space<vmem>>, vector<1x32xf32>
    %get3A_2 = arith.constant 0 : index
    %get3A_3 = arith.constant 0 : index
    %get3A_4 = vector.load %arg2[%get3A_2, %get3A_3] : memref<32x16384xf32, #tpu.memory_space<vmem>>, vector<32x16384xf32>
    %dot_general3A = arith.constant dense<0.000000e+00> : vector<1x16384xf32>
    %dot_general3A_5 = tpu.matmul %get3A_1, %get3A_4, %dot_general3A {dimension_numbers = #tpu.dot_dimension_numbers<[1], [0], [0], [1], [0, 0, 1, 1], [], []>, transpose_lhs_hint = false} : vector<1x32xf32>, vector<32x16384xf32>, vector<1x16384xf32> -> vector<1x16384xf32>
    %broadcast_in_dim3A = vector.shape_cast %dot_general3A_5 : vector<1x16384xf32> to vector<1x1x16384xf32>
    %swap3A = arith.constant 0 : index
    %swap3A_6 = arith.constant 0 : index
    %swap3A_7 = arith.constant 0 : index
    %swap3A_8 = vector.load %arg3[%swap3A, %swap3A_6, %swap3A_7] : memref<1x1x16384xf32, #tpu.memory_space<vmem>>, vector<1x1x16384xf32>
    tpu.vector_store %arg3[%swap3A, %swap3A_6, %swap3A_7], %broadcast_in_dim3A {strides = array<i32>} : memref<1x1x16384xf32, #tpu.memory_space<vmem>>, vector<1x1x16384xf32>,
    return
  }
  func.func @transform_0(%arg0: i32) -> (i32, i32) {
    %c0_i32 = arith.constant 0 : i32
    %c0_i32_0 = arith.constant 0 : i32
    %c0_i32_1 = arith.constant 0 : i32
    return %c0_i32, %c0_i32_0 : i32, i32
  }
  func.func @transform_1(%arg0: i32) -> (i32, i32) {
    %c0_i32 = arith.constant 0 : i32
    %c0_i32_0 = arith.constant 0 : i32
    return %c0_i32, %arg0 : i32, i32
  }
  func.func @transform_2(%arg0: i32) -> (i32, i32, i32) {
    %c0_i32 = arith.constant 0 : i32
    %c0_i32_0 = arith.constant 0 : i32
    %c0_i32_1 = arith.constant 0 : i32
    return %arg0, %c0_i32, %c0_i32_0 : i32, i32, i32
  }
}

</mosaic_0001>

<sc_bundles>
// kernel: kernel.5.cloned.1.call-start
scs
__scs_entry_jumppad:
0x0: {  	(pc) =	sbr.rel $0x88, $3  }
0x1: {  	(tag) =	ssettag $0x0;
	lr =	simm.s32 $0x1  }
0x2: {  	[smem:$0x3F96] =	sst lr;
	_ =	strace $0xD0000000  }
0x3: {  	_ = 	snop  }
0x4: {  	_ = 	snop  }
0x5: {  	_ = 	snop  }
0x6: {  	_ = 	snop  }
0x7: {  	_ = 	snop  }
__scs_overlays_trampoline_lowered:
0x8: {  	[smem:$0x3FA5] =	sst s0  }
0x9: {  	[smem:$0x3FA6] =	sst s1  }
0xa: {  	[smem:$0x3FA7] =	sst s2  }
0xb: {  	[smem:$0x3FA8] =	sst s3  }
0xc: {  	[smem:$0x3FA9] =	sst s4  }
0xd: {  	[smem:$0x3FAA] =	sst s5  }
0xe: {  	[smem:$0x3FAB] =	sst s6  }
0xf: {  	[smem:$0x3FAC] =	sst s7  }
0x10: {  	[smem:$0x3FAD] =	sst s8  }
0x11: {  	[smem:$0x3FAE] =	sst s9;
	s0 =	simm.s32 @!p0 $0x0  }
0x12: {  	s1 =	sld [smem:$0x3F94];
	s0 =	simm.s32 @p0 $0x1  }
0x13: {  	[smem:$0x3FAF] =	sst s0;
	s0 =	simm.s32 @!p1 $0x0  }
0x14: {  	s2 =	sld [smem:$0x3F93];
	s0 =	simm.s32 @p1 $0x1  }
0x15: {  	[smem:$0x3FB0] =	sst s0;
	s0 =	simm.s32 @!p2 $0x0  }
0x16: {  	s3 =	sld [smem:$0x3FDB];
	s0 =	simm.s32 @p2 $0x1  }
0x17: {  	s4 =	simm.s32 $0x1BF5;
	[smem:$0x3FB2] =	sst s0  }
0x18: {  	s0 =	sld [smem:$0x3F95];
	_ =	swait.ge [sflag:s4], $0x0  }
0x19: {  	s7 =	sld [smem:$0x3F96]  }
0x1a: {  	s8 =	sadd.s32 $0xFFFFE003, lr  }
0x1b: {  	s9 =	sadd.s32 $0xFFFFFEF7, lr;
	s5 =	simm.s32 $0xFFFFFFFF;
	p2 =	slt.u32 s8, $0xFFFFF086  }
0x1c: {  	p1 =	slt.u32 s9, $0xF7A;
	s5 =	simm.s32 @!p2 $0x0  }
0x1d: {  	s5 =	simm.s32 @p1 $0x1;
	p0 =	seq.s32 s7, s2  }
0x1e: {  	s7 =	smul.u32 @!p0 $0xF7A, s2;
	p2 =	seq.s32 @!p0 s5, $0x0  }
0x1f: {  	s9 =	smul.u32 $0xF7A, s1;
	s8 =	simm.s32 @!p0 $0x1BF5;
	p2 =	por !p2, p0  }
0x20: {  	[sflag:s8] =	ssyncset.s32 @!p0 $0xFFFFF086;
	s6 =	sadd.s32 @!p0 s3, s7;
	s7 =	simm.s32 @!p0 $0x108  }
0x21: {  	s3 =	sadd.s32 s3, s9;
	s6 =	sadd.s32 @!p0 $0x88, s6;
	s7 =	simm.s32 @p2 $0x1082  }
0x22: {  	[simem:s7], [sflag:s8] =	dma.local @!p0 [hbm:s6], $0xF7A  }
0x23: {  	s9 =	sor.u32 $0xD0000000, s2;
	s6 =	simm.s32 $0x108;
	_ =	swait.ge @!p0 [sflag:s8], $0x0  }
0x24: {  	s3 =	sadd.s32 $0x88, s3;
	s6 =	simm.s32 @!p1 $0x1082;
	[sflag:s4] =	ssyncset.s32 $0xFFFFF086  }
0x25: {  	[simem:s6], [sflag:s4] =	dma.local [hbm:s3], $0xF7A  }
0x26: {  	[smem:$0x3F96] =	sst s1;
	(tag) =	ssettag s2;
	_ =	strace s9  }
0x27: {  	s1 =	sld [smem:$0x3FA6]  }
0x28: {  	s2 =	sld [smem:$0x3FA7]  }
0x29: {  	s4 =	sld [smem:$0x3FA9]  }
0x2a: {  	p0 =	seq.s32 s5, $0x0;
	s5 =	sld [smem:$0x3FAA]  }
0x2b: {  	s6 =	sld [smem:$0x3FAB]  }
0x2c: {  	s7 =	sld [smem:$0x3FAC]  }
0x2d: {  	s3 =	simm.s32 $0x108;
	s8 =	sld [smem:$0x3FAD]  }
0x2e: {  	s3 =	simm.s32 @!p0 $0x1082;
	s9 =	sld [smem:$0x3FAE]  }
0x2f: {  	lr =	sadd.s32 s0, s3;
	s0 =	sld [smem:$0x3FA5]  }
0x30: {  	s3 =	sld [smem:$0x3FA8]  }
0x31: {  	[smem:$0x3FB1] =	sst s10  }
0x32: {  	s10 =	sld [smem:$0x3FAF];
	_ =	sdelay $0x3  }
0x33: {  	p0 =	seq.s32 s10, $0x1;
	s10 =	sld [smem:$0x3FB1];
	_ =	sdelay $0x3  }
0x34: {  	[smem:$0x3FB1] =	sst s10  }
0x35: {  	s10 =	sld [smem:$0x3FB0];
	_ =	sdelay $0x3  }
0x36: {  	p1 =	seq.s32 s10, $0x1;
	s10 =	sld [smem:$0x3FB1];
	_ =	sdelay $0x3  }
0x37: {  	[smem:$0x3FB1] =	sst s10  }
0x38: {  	s10 =	sld [smem:$0x3FB2]  }
0x39: {  	_ = 	snop;
	(pc) =	sbr.ind lr, $3  }
0x3a: {  	_ = 	snop  }
0x3b: {  	_ = 	snop  }
0x3c: {  	p2 =	seq.s32 s10, $0x1;
	s10 =	sld [smem:$0x3FB1]  }
0x3d: {  	_ =	shalt  }
0x3e: {  	_ =	shalt  }
0x3f: {  	_ =	shalt  }
0x40: {  	_ =	shalt  }
0x41: {  	_ =	shalt  }
0x42: {  	_ =	shalt  }
0x43: {  	_ =	shalt  }
0x44: {  	_ =	shalt  }
0x45: {  	_ =	shalt  }
0x46: {  	_ =	shalt  }
0x47: {  	_ =	shalt  }
0x48: {  	_ =	shalt  }
0x49: {  	_ =	shalt  }
0x4a: {  	_ =	shalt  }
0x4b: {  	_ =	shalt  }
0x4c: {  	_ =	shalt  }
0x4d: {  	_ =	shalt  }
0x4e: {  	_ =	shalt  }
0x4f: {  	_ =	shalt  }
0x50: {  	_ =	shalt  }
0x51: {  	_ =	shalt  }
0x52: {  	_ =	shalt  }
0x53: {  	_ =	shalt  }
0x54: {  	_ =	shalt  }
0x55: {  	_ =	shalt  }
0x56: {  	_ =	shalt  }
0x57: {  	_ =	shalt  }
0x58: {  	_ =	shalt  }
0x59: {  	_ =	shalt  }
0x5a: {  	_ =	shalt  }
0x5b: {  	_ =	shalt  }
0x5c: {  	_ =	shalt  }
0x5d: {  	_ =	shalt  }
0x5e: {  	_ =	shalt  }
0x5f: {  	_ =	shalt  }
0x60: {  	_ =	shalt  }
0x61: {  	_ =	shalt  }
0x62: {  	_ =	shalt  }
0x63: {  	_ =	shalt  }
0x64: {  	_ =	shalt  }
0x65: {  	_ =	shalt  }
0x66: {  	_ =	shalt  }
0x67: {  	_ =	shalt  }
0x68: {  	_ =	shalt  }
0x69: {  	_ =	shalt  }
0x6a: {  	_ =	shalt  }
0x6b: {  	_ =	shalt  }
0x6c: {  	_ =	shalt  }
0x6d: {  	_ =	shalt  }
0x6e: {  	_ =	shalt  }
0x6f: {  	_ =	shalt  }
0x70: {  	_ =	shalt  }
0x71: {  	_ =	shalt  }
0x72: {  	_ =	shalt  }
0x73: {  	_ =	shalt  }
0x74: {  	_ =	shalt  }
0x75: {  	_ =	shalt  }
0x76: {  	_ =	shalt  }
0x77: {  	_ =	shalt  }
0x78: {  	_ =	shalt  }
0x79: {  	_ =	shalt  }
0x7a: {  	_ =	shalt  }
0x7b: {  	_ =	shalt  }
0x7c: {  	_ =	shalt  }
0x7d: {  	_ =	shalt  }
0x7e: {  	_ =	shalt  }
0x7f: {  	_ =	shalt  }
0x80: {  	_ =	shalt  }
0x81: {  	_ =	shalt  }
0x82: {  	_ =	shalt  }
0x83: {  	_ =	shalt  }
0x84: {  	_ =	shalt  }
0x85: {  	_ =	shalt  }
0x86: {  	_ =	shalt  }
0x87: {  	_ =	shalt  }
.Lfunc_end0:
.L_simem_size_0:
called_computation_lowered:
.L_overlay_start_0:
0x88: {  	s2 =	sld [smem:$0x3FD9]  }
0x89: {  	s3 =	sld [smem:$0x3FFE];
	_ =	sdelay $0x1  }
0x8a: {  	s1 =	srdreg.scid  }
0x8b: {  	s0 =	sand.u32 $0x1, s1  }
0x8c: {  	s17 =	sshll.u32 s0, $0xA;
	s2 =	sadd.s32 s3, s2  }
0x8d: {  	s2 =	sadd.s32 s2, s17  }
0x8e: {  	[smem:$0x3FBD] =	sst s2  }
0x8f: {  	_ = 	snop  }
0x90: {  	s2 =	sld [smem:$0x3FC9]  }
0x91: {  	s18 =	sld [smem:$0x3FD0];
	(tm) =	ssettm $0x1  }
0x92: {  	s4 =	sld [smem:$0x3FFB];
	_ =	sdelay $0x3  }
0x93: {  	_ =	strace s4  }
0x94: {  	s4 =	sld [smem:$0x3FFC];
	_ =	sdelay $0x3  }
0x95: {  	_ =	strace s4  }
0x96: {  	s4 =	sld [smem:$0x3FFD];
	_ =	sdelay $0x3  }
0x97: {  	_ =	strace s4  }
0x98: {  	_ =	strace $0x8FFFFFFF  }
0x99: {  	s19 =	sld [smem:$0x3FDB];
	_ =	sdelay $0x1  }
0x9a: {  	s5 =	simm.s32 $_scs_section_size  }
0x9b: {  	s6 =	simm.s32 $_size__tile_overlayer_lowered;
	s7 =	simm.s32 $_tile_overlayer_lowered  }
0x9c: {  	s22 =	simm.s32 $0x1BFF;
	s21 =	sshll.u32 s7, $0x1;
	s4 =	sadd.s32 s5, s19  }
0x9d: {  	s8 =	simm.s32 $0x0;
	s20 =	sshll.u32 s6, $0x1;
	s6 =	sadd.s32 s21, s4  }
0x9e: {  	[timem:s8], [sflag:s22] =	dma.local [hbm:s6], s20  }
0x9f: {  	_ =	swait.ge [sflag:s22], s20  }
0xa0: {  	s5 =	ssub.s32 $0x0, s20;
	[sflag:s22] =	ssyncset.done $0x0  }
0xa1: {  	[sflag:s22] =	ssyncadd.s32 s5;
	_ =	sdelay $0x1  }
0xa2: {  	s23 =	simm.s32 $0x1B8B  }
0xa3: {  	_ =	swait.ge [sflag:s23], $0x1  }
0xa4: {  	[sflag:s23] =	ssyncset.done $0x0  }
0xa5: {  	s25 =	simm.s32 $0x1B8E;
	s24 =	sld [smem:$0x3FFE];
	[sflag:s23] =	ssyncadd.s32 $0xFFFFFFFF  }
0xa6: {  	s26 =	simm.s32 $execute0_lowered;
	[smem:$0x3FD2] =	sst s25  }
0xa7: {  	s6 =	sshll.u32 s26, $0x1;
	_ =	strace $0x80000046;
	[dreg:$0x1] =	wrdreg $0xFFFFFFFF  }
0xa8: {  	s28 =	simm.s32 $_size_execute0_lowered;
	s4 =	sadd.s32 s4, s6;
	[dreg:$0x0] =	wrdreg $0x0  }
0xa9: {  	s6 =	sshll.u32 s28, $0x1;
	[dreg:$0x2] =	wrdreg s4  }
0xaa: {  	[dreg:$0x3] =	wrdreg s6  }
0xab: {  	[dreg:$0x4] =	wrdreg $0xC0  }
0xac: {  	_ =	task [dreg:s8], $0x5FFFF  }
0xad: {  	[dreg:$0x1] =	wrdreg $0xFFFFFFFF  }
0xae: {  	[dreg:$0x0] =	wrdreg $0x60  }
0xaf: {  	[dreg:$0x2] =	wrdreg s24  }
0xb0: {  	[dreg:$0x3] =	wrdreg s2  }
0xb1: {  	[dreg:$0x4] =	wrdreg s18  }
0xb2: {  	[dreg:$0x5] =	wrdreg $0x9  }
0xb3: {  	_ =	task.clear_ibuf [dreg:s8], $0x6FFFF;
	_ =	strace $0x90000046  }
0xb4: {  	s29 =	simm.s32 $0x9;
	_ =	strace $0x80000048  }
0xb5: {  	_ =	swait.ge [sflag:s29], $0x1  }
0xb6: {  	[sflag:s29] =	ssyncadd.s32 $0xFFFFFFFF  }
0xb7: {  	_ =	strace $0x90000048  }
0xb8: {  	_ =	sfence  }
0xb9: {  	s30 =	sld [smem:$0x0];
	_ =	sdelay $0x2  }
0xba: {  	s31 =	sshll.u32 s1, $0xD;
	s1 =	sshrl.u32 s1, $0x2  }
0xbb: {  	s3 =	sand.u32 $0x4000, s31;
	s1 =	sadd.s32 s1, s30  }
0xbc: {  	s0 =	sor.u32 s3, s0;
	s1 =	sshll.u32 s1, $0x11  }
0xbd: {  	s0 =	sor.u32 s1, s0  }
0xbe: {  	s0 =	sadd.s32 $0x8F2B, s0  }
0xbf: {  	[sflag:s0] =	ssyncadd.remote.s32 $0x1  }
0xc0: {  	_ =	sfence.sel $0xFFFF  }
0xc1: {  	[dreg:$0x0] =	wrdreg $0xFFFFFFFF;
	(pc) =	sbr.abs _section_cstart, $3  }
0xc2: {  	[dreg:$0x1] =	wrdreg $0xFFFFFFFF  }
0xc3: {  	_ =	task.clear_ibuf [dreg:s8], $0x2FFFF;
	_ =	strace $0x9FFFFFFF  }
0xc4: {  	(tm) =	ssettm $0x7FFFFFFF  }
0xc5: {  	_ =	shalt  }
tec
execute0_lowered:
.L_overlay_start_1:
0x0: {  	(tag) =	ssettag $0x1  }
0x1: {  	s11 =	rddreg [dreg:$0x0]  }
0x2: {  	s0 =	rddreg [dreg:$0x1]  }
0x3: {  	s1 =	rddreg [dreg:$0x2];
	s3 =	simm.s32 $0x0;
	s2 =	srdreg.scid  }
0x4: {  	s4 =	stileid.u32;
	s19 =	simm.s32 $0x1ECA0;
	s20 =	simm.s32 $0x2  }
0x5: {  	s21 =	simm.s32 $0x1ED20;
	s22 =	simm.s32 $0x1EDA0;
	s23 =	simm.s32 $0x1EE20  }
0x6: {  	s24 =	simm.s32 $0x80;
	s25 =	simm.s32 $0x186A0;
	s26 =	simm.s32 $0x1  }
0x7: {  	s29 =	simm.s32 $0x0;
	[smem:$0x7FF] =	sst s3;
	s2 =	sand.u32 $0x1, s2  }
0x8: {  	s4 =	sshll.u32 s4, $0x1;
	s5 =	sadd.s32 $0xC00, s11;
	s6 =	sadd.s32 $0x1200, s11  }
0x9: {  	s7 =	sadd.s32 $0x1800, s11;
	s8 =	sadd.s32 $0x4A00, s11;
	_ =	strace $0x80000047  }
0xa: {  	s15 =	sor.u32 s2, s4;
	s4 =	sadd.s32 $0x600, s11;
	s2 =	ssub.s32 $0x2, s2  }
0xb: {  	s9 =	smul.u32 $0xC80, s15;
	s17 =	sshll.u32 s15, $0x6;
	s12 =	sshrl.u32 s2, $0x1  }
0xc: {  	s15 =	sshll.u32 s15, $0x2;
	s10 =	sadd.s32 s0, s17;
	s31 =	ssub.s32 s2, s12  }
0xd: {  	s17 =	sadd.s32 s1, s17;
	s16 =	sadd.s32 s9, s11;
	s9 =	sadd.s32 $0x81A00, s11  }
0xe: {  	s11 =	sadd.s32 $0xA0A00, s11;
	s12 =	sadd.s32 $0x10, s10;
	s13 =	sadd.s32 $0x20, s10  }
0xf: {  	s14 =	sadd.s32 $0x30, s10;
	s18 =	smax.u32 s31, $0x1;
	s16 =	sadd.s32 $0x68A00, s16  }
.LBB2_1:
0x10: {  	[tilespmem:s19], [sflag:$0x2] =	stream.linear.gather [hbm4b:s10+s3], $0x80, $0x38;
	[tilespmem:$0x1F0B0] =	vst v63  }
0x11: {  	_ =	swait.ge [sflag:s20], $0x80  }
0x12: {  	[sflag:s20] =	ssyncset.done $0x0  }
0x13: {  	[sflag:s20] =	ssyncadd.s32 $0xFFFFFF80  }
0x14: {  	[tilespmem:s21], [sflag:$0x2] =	stream.linear.gather [hbm4b:s12+s3], $0x80, $0x38;
	[tilespmem:$0x1F0B0] =	vst v63  }
0x15: {  	_ =	swait.ge [sflag:s20], $0x80  }
0x16: {  	[sflag:s20] =	ssyncset.done $0x0  }
0x17: {  	[sflag:s20] =	ssyncadd.s32 $0xFFFFFF80  }
0x18: {  	[tilespmem:s22], [sflag:$0x2] =	stream.linear.gather [hbm4b:s13+s3], $0x80, $0x38;
	[tilespmem:$0x1F0B0] =	vst v63  }
0x19: {  	_ =	swait.ge [sflag:s20], $0x80  }
0x1a: {  	[sflag:s20] =	ssyncset.done $0x0  }
0x1b: {  	[sflag:s20] =	ssyncadd.s32 $0xFFFFFF80  }
0x1c: {  	[tilespmem:s23], [sflag:$0x2] =	stream.linear.gather [hbm4b:s14+s3], $0x80, $0x38;
	[tilespmem:$0x1F0B0] =	vst v63  }
0x1d: {  	_ =	swait.ge [sflag:s20], $0x80  }
0x1e: {  	[sflag:s20] =	ssyncset.done $0x0  }
0x1f: {  	s0 =	simm.s32 $0x1EEA0;
	[sflag:s20] =	ssyncadd.s32 $0xFFFFFF80  }
0x20: {  	[tilespmem:s0], [sflag:$0x1] =	stream.indirect.gather [hbm4b:s9+s24], $0x1, s19, s24, $0xb8;
	[tilespmem:$0x1F0B0] =	vst v63  }
0x21: {  	s1 =	simm.s32 $0x1EF20  }
0x22: {  	[tilespmem:s1], [sflag:$0x1] =	stream.indirect.gather [hbm4b:s9+s24], $0x1, s21, s24, $0xb8;
	[tilespmem:$0x1F0B0] =	vst v63  }
0x23: {  	s2 =	simm.s32 $0x1EFA0  }
0x24: {  	[tilespmem:s2], [sflag:$0x1] =	stream.indirect.gather [hbm4b:s9+s24], $0x1, s22, s24, $0xb8;
	[tilespmem:$0x1F0B0] =	vst v63  }
0x25: {  	s28 =	simm.s32 $0x1F020  }
0x26: {  	[tilespmem:s28], [sflag:$0x1] =	stream.indirect.gather [hbm4b:s9+s24], $0x1, s23, s24, $0xb8;
	[tilespmem:$0x1F0B0] =	vst v63  }
0x27: {  	s31 =	simm.s32 $0x1F0A0  }
0x28: {  	[tilespmem:s31], [sflag:$0x2] =	stream.linear.gather [hbm4b:s11+s3], $0x10, $0x38;
	[tilespmem:$0x1F0B0] =	vst v63  }
0x29: {  	_ =	swait.ge [sflag:s20], $0x10  }
0x2a: {  	[sflag:s20] =	ssyncset.done $0x0  }
0x2b: {  	[sflag:s20] =	ssyncadd.s32 $0xFFFFFFF0  }
0x2c: {  	s1 =	rddreg [dreg:$0x0]  }
0x2d: {  	[tilespmem:s3], [sflag:$0x2] =	stream.linear.gather [hbm4b:s1+s3], $0x2710, $0x38;
	[tilespmem:$0x1F0B0] =	vst v63  }
0x2e: {  	_ =	swait.ge [sflag:s20], $0x2710  }
0x2f: {  	[sflag:s20] =	ssyncset.done $0x0  }
0x30: {  	s2 =	simm.s32 $0x2710;
	[sflag:s20] =	ssyncadd.s32 $0xFFFFD8F0  }
0x31: {  	[tilespmem:s2], [sflag:$0x2] =	stream.linear.gather [hbm4b:s4+s3], $0x2710, $0x38;
	[tilespmem:$0x1F0B0] =	vst v63  }
0x32: {  	_ =	swait.ge [sflag:s20], $0x2710  }
0x33: {  	[sflag:s20] =	ssyncset.done $0x0  }
0x34: {  	s28 =	simm.s32 $0x4E20;
	[sflag:s20] =	ssyncadd.s32 $0xFFFFD8F0  }
0x35: {  	[tilespmem:s28], [sflag:$0x2] =	stream.linear.gather [hbm4b:s5+s3], $0x2710, $0x38;
	[tilespmem:$0x1F0B0] =	vst v63  }
0x36: {  	_ =	swait.ge [sflag:s20], $0x2710  }
0x37: {  	[sflag:s20] =	ssyncset.done $0x0  }
0x38: {  	s31 =	simm.s32 $0x7530;
	[sflag:s20] =	ssyncadd.s32 $0xFFFFD8F0  }
0x39: {  	[tilespmem:s31], [sflag:$0x2] =	stream.linear.gather [hbm4b:s6+s3], $0x2710, $0x38;
	[tilespmem:$0x1F0B0] =	vst v63  }
0x3a: {  	_ =	swait.ge [sflag:s20], $0x2710  }
0x3b: {  	[sflag:s20] =	ssyncset.done $0x0  }
0x3c: {  	s30 =	simm.s32 $0x0;
	[sflag:s20] =	ssyncadd.s32 $0xFFFFD8F0  }
.LBB2_2:
0x3d: {  	s0 =	sadd.s32 s15, s30  }
0x3e: {  	s0 =	smul.u32 $0xC80, s0;
	_ =	sdelay $0x1  }
0x3f: {  	s31 =	simm.s32 $0x0;
	s28 =	sshll.u32 s30, $0x7;
	s0 =	sadd.s32 s8, s0  }
0x40: {  	[tilespmem:s25], [sflag:$0x2] =	stream.linear.gather [hbm4b:s0+s31], $0x6400, $0x38;
	[tilespmem:$0x1F0B0] =	vst v63  }
0x41: {  	s0 =	sand.u32 $0x3FFFFF80, s28;
	_ =	swait.ge [sflag:s20], $0x6400  }
0x42: {  	s1 =	sadd.s32 $0x1EAA0, s0;
	[sflag:s20] =	ssyncset.done $0x0  }
0x43: {  	s0 =	simm.s32 $0x187A0;
	v0 =	vmov s1;
	[sflag:s20] =	ssyncadd.s32 $0xFFFF9C00  }
.LBB2_3:
0x44: {  	v1 =	vmov s0;
	_ =	sdelay $0x3  }
0x45: {  	s1 =	simm.s32 $0x0  }
0x46: {  	v2 =	vld.idx.msk [tilespmem:v1+s1+$0xFFFFFF00 ss:$0x1], $0xffff  }
0x47: {  	v3 =	vld.idx.msk [tilespmem:v1+s1+$0xFFFFFF80 ss:$0x1], $0xffff;
	_ =	sdelay $0x1  }
0x48: {  	v4 =	vld.idx.msk [tilespmem:v1+s1+$0x0 ss:$0x1], $0xffff  }
0x49: {  	v5 =	vld.idx.msk [tilespmem:v1+s1+$0x80 ss:$0x1], $0xffff  }
0x4a: {  	s2 =	simm.s32 $0x200  }
0x4b: {  	v8 =	vld.idx.msk [tilespmem:v1+s2+$0xFFFFFF80 ss:$0x1], $0xffff;
	v6 =	vadd.s32 $0x2710, v3  }
0x4c: {  	v3 =	vld.idx.msk [tilespmem:v1+s2+$0xFFFFFF00 ss:$0x1], $0xffff  }
0x4d: {  	v7 =	vadd.s32 $0x4E20, v4;
	v4 =	vld.idx.msk [tilespmem:v1+s2+$0x0 ss:$0x1], $0xffff  }
0x4e: {  	v11 =	vadd.s32 $0x7530, v5;
	v10 =	vld.idx.msk [tilespmem:v2+s3+$0x0], $0xffff  }
0x4f: {  	v5 =	vld.idx.msk [tilespmem:v1+s2+$0x80 ss:$0x1], $0xffff  }
0x50: {  	s28 =	simm.s32 $0x400;
	v6 =	vld.idx.msk [tilespmem:v6+s3+$0x0], $0xffff  }
0x51: {  	v2 =	vld.idx.msk [tilespmem:v1+s28+$0xFFFFFF00 ss:$0x1], $0xffff  }
0x52: {  	v12 =	vimm.f32 $0.0e+00;
	v9 =	vadd.s32 $0x2710, v8;
	v7 =	vld.idx.msk [tilespmem:v7+s3+$0x0], $0xffff  }
0x53: {  	s1 =	simm.s32 $0x1800;
	s2 =	sshll.u32 s31, $0x4;
	v8 =	vld.idx.msk [tilespmem:v11+s3+$0x0], $0xffff;
	v10 =	vadd.f32 v10, v12  }
.LBB2_4:
0x54: {  	p0 =	sne.s32 s1, $0x18800;
	v11 =	vld.idx.msk [tilespmem:v1+s28+$0xFFFFFF80 ss:$0x1], $0xffff;
	v12 =	vadd.s32 $0x4E20, v4  }
0x55: {  	v13 =	vld.idx.msk [tilespmem:v3+s3+$0x0], $0xffff;
	v10 =	vadd.f32 v6, v10  }
0x56: {  	v14 =	vadd.s32 $0x7530, v5;
	v4 =	vld.idx.msk [tilespmem:v1+s28+$0x0 ss:$0x1], $0xffff  }
.Ltmp0:
0x57: {  	v6 =	vld.idx.msk [tilespmem:v9+s3+$0x0], $0xffff;
	v9 =	vadd.f32 v7, v10;
	v3 =	vmov v2;
	(pc) =	sbr.rel @p0 .LBB2_4-.Ltmp0, $4  }
0x58: {  	v5 =	vld.idx.msk [tilespmem:v1+s28+$0x80 ss:$0x1], $0xffff  }
0x59: {  	s28 =	sshra.s32 s1, $0x2;
	v7 =	vld.idx.msk [tilespmem:v12+s3+$0x0], $0xffff;
	v8 =	vadd.f32 v8, v9  }
0x5a: {  	v9 =	vadd.s32 $0x2710, v11;
	v2 =	vld.idx.msk [tilespmem:v1+s28+$0xFFFFFF00 ss:$0x1], $0xffff  }
0x5b: {  	s1 =	sadd.s32 $0x800, s1;
	v10 =	vadd.f32 v13, v8;
	v8 =	vld.idx.msk [tilespmem:v14+s3+$0x0], $0xffff  }
0x5c: {  	_ =	sdelay $0x3  }
0x5d: {  	v11 =	vld.idx.msk [tilespmem:v1+s28+$0xFFFFFF80 ss:$0x1], $0xffff;
	v4 =	vadd.s32 $0x4E20, v4;
	v6 =	vadd.f32 v6, v10  }
0x5e: {  	v3 =	vld.idx.msk [tilespmem:v3+s3+$0x0], $0xffff  }
0x5f: {  	v58 =	vld.idx.msk [tilespmem:v1+s28+$0x0 ss:$0x1], $0xffff;
	v5 =	vadd.s32 $0x7530, v5;
	v6 =	vadd.f32 v7, v6  }
0x60: {  	v59 =	vld.idx.msk [tilespmem:v9+s3+$0x0], $0xffff  }
0x61: {  	v1 =	vld.idx.msk [tilespmem:v1+s28+$0x80 ss:$0x1], $0xffff;
	v6 =	vadd.f32 v8, v6  }
0x62: {  	v4 =	vld.idx.msk [tilespmem:v4+s3+$0x0], $0xffff  }
0x63: {  	v60 =	vadd.s32 $0x2710, v11;
	v3 =	vadd.f32 v3, v6  }
0x64: {  	v5 =	vld.idx.msk [tilespmem:v5+s3+$0x0], $0xffff  }
0x65: {  	v61 =	vadd.s32 $0x4E20, v58;
	v3 =	vadd.f32 v59, v3  }
0x66: {  	v2 =	vld.idx.msk [tilespmem:v2+s3+$0x0], $0xffff  }
0x67: {  	v1 =	vadd.s32 $0x7530, v1;
	v3 =	vadd.f32 v4, v3  }
0x68: {  	v62 =	vld.idx.msk [tilespmem:v60+s3+$0x0], $0xffff  }
0x69: {  	v3 =	vadd.f32 v5, v3  }
0x6a: {  	v63 =	vld.idx.msk [tilespmem:v61+s3+$0x0], $0xffff  }
0x6b: {  	v2 =	vadd.f32 v2, v3  }
0x6c: {  	v1 =	vld.idx.msk [tilespmem:v1+s3+$0x0], $0xffff  }
0x6d: {  	s31 =	sadd.s32 $0x1, s31;
	v2 =	vadd.f32 v62, v2  }
0x6e: {  	p0 =	sne.s32 s31, $0x8  }
.Ltmp1:
0x6f: {  	v2 =	vadd.f32 v63, v2;
	(pc) =	sbr.rel @p0 .LBB2_3-.Ltmp1, $3  }
0x70: {  	_ = 	snop  }
0x71: {  	v1 =	vadd.f32 v1, v2;
	_ =	sdelay $0x1  }
0x72: {  	s0 =	sadd.s32 $0x10, s0;
	[tilespmem:v0+s2+$0x0 ss:$0x1] =	vst.idx.msk $0xffff, v1  }
0x73: {  	s30 =	sadd.s32 $0x1, s30  }
0x74: {  	p0 =	sne.s32 s30, $0x4  }
.Ltmp2:
0x75: {  	_ = 	snop;
	(pc) =	sbr.rel @p0 .LBB2_2-.Ltmp2, $1  }
0x76: {  	_ =	sdelay $0x3  }
0x77: {  	_ =	swait.ge [sflag:s26], $0x80  }
0x78: {  	[sflag:s26] =	ssyncset.done $0x0  }
0x79: {  	[sflag:s26] =	ssyncadd.s32 $0xFFFFFF80  }
0x7a: {  	_ =	swait.ge [sflag:s26], $0x80  }
0x7b: {  	[sflag:s26] =	ssyncset.done $0x0  }
0x7c: {  	[sflag:s26] =	ssyncadd.s32 $0xFFFFFF80  }
0x7d: {  	_ =	swait.ge [sflag:s26], $0x80  }
0x7e: {  	[sflag:s26] =	ssyncset.done $0x0  }
0x7f: {  	[sflag:s26] =	ssyncadd.s32 $0xFFFFFF80  }
0x80: {  	_ =	swait.ge [sflag:s26], $0x80  }
0x81: {  	[sflag:s26] =	ssyncset.done $0x0  }
0x82: {  	s0 =	simm.s32 $0x0;
	[sflag:s26] =	ssyncadd.s32 $0xFFFFFF80  }
0x83: {  	s1 =	simm.s32 $0x40;
	v0 =	vld [tilespmem:s0+$0x1EEA0]  }
.LBB2_8:
0x84: {  	p0 =	sne.s32 s1, $0x7C0;
	v1 =	vld [tilespmem:s0+$0x1EAA0];
	_ =	sdelay $0x2  }
.Ltmp3:
0x85: {  	(pc) =	sbr.rel @p0 .LBB2_8-.Ltmp3, $4  }
0x86: {  	_ = 	snop  }
0x87: {  	v1 =	vadd.f32 v1, v0  }
0x88: {  	s2 =	sshra.s32 s1, $0x2  }
0x89: {  	s1 =	sadd.s32 $0x40, s1;
	v0 =	vld [tilespmem:s2+$0x1EEA0];
	[tilespmem:s0+$0x1EAA0] =	vst v1;
	s0 =	smov.u32 s2  }
0x8a: {  	v1 =	vld [tilespmem:s0+$0x1EAA0];
	_ =	sdelay $0x4  }
0x8b: {  	v0 =	vadd.f32 v1, v0;
	_ =	sdelay $0x1  }
0x8c: {  	[tilespmem:s0+$0x1EAA0] =	vst v0;
	s0 =	simm.s32 $0x0  }
0x8d: {  	[tilespmem:s0], [sflag:$0x2] =	stream.linear.gather [hbm4b:s7+s0], $0x186A0, $0x38;
	[tilespmem:$0x1F0B0] =	vst v63  }
0x8e: {  	_ =	swait.ge [sflag:s20], $0x186A0  }
0x8f: {  	[sflag:s20] =	ssyncset.done $0x0  }
0x90: {  	s2 =	simm.s32 $0x186A0;
	[sflag:s20] =	ssyncadd.s32 $0xFFFE7960  }
0x91: {  	[tilespmem:s2], [sflag:$0x2] =	stream.linear.gather [hbm4b:s16+s0], $0x6400, $0x38;
	[tilespmem:$0x1F0B0] =	vst v63  }
0x92: {  	_ =	swait.ge [sflag:s20], $0x6400  }
0x93: {  	[sflag:s20] =	ssyncset.done $0x0  }
0x94: {  	[sflag:s20] =	ssyncadd.s32 $0xFFFF9C00  }
0x95: {  	v0 =	vld [tilespmem:$0x1F0A0]  }
.LBB2_10:
0x96: {  	v1 =	vmov s2;
	_ =	sdelay $0x3  }
0x97: {  	s1 =	simm.s32 $0x0  }
0x98: {  	v3 =	vld.idx.msk [tilespmem:v1+s1+$0x0 ss:$0x1], $0xffff;
	_ =	sdelay $0x5  }
0x99: {  	s28 =	sshll.u32 s0, $0x4  }
0x9a: {  	v2 =	vld [tilespmem:s28+$0x1EAA0]  }
0x9b: {  	s30 =	simm.s32 $0x200;
	s1 =	simm.s32 $0x1000;
	v3 =	vld.idx.msk [tilespmem:v3+s3+$0x0], $0xffff  }
.LBB2_11:
0x9c: {  	p0 =	sne.s32 s1, $0x18800;
	v4 =	vld.idx.msk [tilespmem:v1+s30+$0x0 ss:$0x1], $0xffff;
	_ =	sdelay $0x3  }
.Ltmp4:
0x9d: {  	(pc) =	sbr.rel @p0 .LBB2_11-.Ltmp4, $2  }
0x9e: {  	v2 =	vadd.f32 v3, v2;
	_ =	sdelay $0x2  }
0x9f: {  	s30 =	sshra.s32 s1, $0x2;
	s1 =	sadd.s32 $0x800, s1;
	v3 =	vld.idx.msk [tilespmem:v4+s3+$0x0], $0xffff  }
0xa0: {  	_ =	sdelay $0x3  }
0xa1: {  	v1 =	vld.idx.msk [tilespmem:v1+s30+$0x0 ss:$0x1], $0xffff;
	_ =	sdelay $0x7  }
0xa2: {  	v1 =	vld.idx.msk [tilespmem:v1+s3+$0x0], $0xffff;
	_ =	sdelay $0x2  }
0xa3: {  	v2 =	vadd.f32 v3, v2;
	_ =	sdelay $0x1  }
0xa4: {  	v1 =	vadd.f32 v1, v2;
	_ =	sdelay $0x1  }
0xa5: {  	v1 =	vadd.f32 v1, v0;
	_ =	sdelay $0x1  }
0xa6: {  	v1 =	vsub.f32 $0.0e+00, v1;
	_ =	sdelay $0x1  }
0xa7: {  	v1 =	vmul.f32 $1.442695020e+00, v1;
	_ =	sdelay $0x1  }
0xa8: {  	(erf) = vpow2.f32 v1;
	_ =	sdelay $0x8  }
0xa9: {  	v1 =	vpop (erf)  }
0xaa: {  	v1 =	vadd.f32 $1.000000000e+00, v1;
	_ =	sdelay $0x1  }
0xab: {  	(erf) = vrcp.f32 v1;
	_ =	sdelay $0x3  }
0xac: {  	s0 =	sadd.s32 $0x1, s0  }
0xad: {  	p0 =	sne.s32 s0, $0x20  }
.Ltmp5:
0xae: {  	_ = 	snop;
	(pc) =	sbr.rel @p0 .LBB2_10-.Ltmp5, $3  }
0xaf: {  	_ =	sdelay $0x1  }
0xb0: {  	v1 =	vpop (erf)  }
0xb1: {  	s2 =	sadd.s32 $0x10, s2;
	[tilespmem:s28+$0x1EAA0] =	vst v1  }
0xb2: {  	s29 =	sadd.s32 $0x1, s29  }
0xb3: {  	p0 =	sne.s32 s29, s18  }
.Ltmp6:
0xb4: {  	s0 =	simm.s32 $0x1EAA0;
	(pc) =	sbr.rel @p0 .LBB2_1-.Ltmp6, $4  }
0xb5: {  	[hbm4b:s17+s3] =	stream.linear.scatter [tilespmem:s0], [sflag:$0x2], $0x200, $0x38;
	[tilespmem:$0x1F0B0] =	vst v63  }
0xb6: {  	_ =	swait.ge [sflag:s20], $0x200  }
0xb7: {  	[sflag:s20] =	ssyncset.done $0x0  }
0xb8: {  	[sflag:s20] =	ssyncadd.s32 $0xFFFFFE00  }
0xb9: {  	_ =	sfence.sel $0x180000  }
0xba: {  	[bflag:$0x0] =	sbarrier.arrive $0xFFFF  }
0xbb: {  	_ =	strace $0x90000047  }
0xbc: {  	s0 =	stileid.u32;
	[bflag:$0x2] =	sbarrier.arrive $0xFFFF  }
0xbd: {  	p0 =	sne.s32 s0, $0x0;
	s0 =	rddreg [dreg:$0x3]  }
0xbe: {  	s0 =	sadd.s32 @!p0 $0x100000, s0  }
0xbf: {  	[sflag:s0] =	ssyncadd.tile.s32 @!p0 $0x1;
	_ =	shalt  }
.Lfunc_end2:
_tile_overlayer_lowered:
.L_overlay_start_2:
0xc0: {  	(tag) =	ssettag $0x2  }
0xc1: {  	s0 =	rddreg [dreg:$0x0];
	s2 =	stileid.u32  }
0xc2: {  	s1 =	rddreg [dreg:$0x1];
	p0 =	sne.s32 s2, $0x0  }
0xc3: {  	s3 =	rddreg [dreg:$0x2];
	[bflag:$0x3] =	sbarrier.arrive $0xFFFF;
	s2 =	simm.s32 @!p0 $0x1C02  }
0xc4: {  	[timem:s3], [sflag:s2] =	dma.local @!p0 [hbm:s0], s1  }
0xc5: {  	s0 =	simm.s32 @!p0 $0x2  }
0xc6: {  	_ =	swait.ge @!p0 [sflag:s0], s1  }
0xc7: {  	s1 =	ssub.s32 @!p0 $0x0, s1;
	[sflag:s0] =	ssyncset.done @!p0 $0x0  }
0xc8: {  	[sflag:s0] =	ssyncadd.s32 @!p0 s1  }
0xc9: {  	[bflag:$0x3] =	sbarrier.arrive $0xFFFF  }
0xca: {  	_ =	shalt  }

</sc_bundles>
